<compile_context>
chip_gen: v7x
topology: tpu7x:2x2x1
jax: 0.10.2.dev20260603
libtpu: 0.0.44.dev20260713+nightly
codegen_flags: <defaults>
</compile_context>

<pallas_src>
import functools

import jax
import jax.numpy as jnp
from jax import lax
from jax.experimental import pallas as pl
from jax.experimental.pallas import tpu as pltpu
from jax.experimental.pallas import tpu_sc as plsc

N = 10000
E = 160000
R = 50
D = 128
B = 8

NC, NS, L = 2, 16, 16
NW = NC * NS
NPAD = 10240
EPAD = 163840
CH = 128
ROWS_W = EPAD // NW // CH
NODES_T = NPAD // NS

BN = 1000


def _hr_body(a_ref, V_ref, h_ref, out_ref, W_s):
    r = pl.program_id(0)

    @pl.when(pl.program_id(1) == 0)
    def _():
        W = a_ref[r, 0] * V_ref[0]
        for b in range(1, B):
            W = W + a_ref[r, b] * V_ref[b]
        W_s[...] = W

    out_ref[...] = jnp.dot(h_ref[...], W_s[...],
                           preferred_element_type=jnp.float32)


def _hr_table(h, a, V):
    return pl.pallas_call(
        _hr_body,
        grid=(R, N // BN),
        in_specs=[
            pl.BlockSpec(memory_space=pltpu.SMEM),
            pl.BlockSpec((B, D, D), lambda r, n: (0, 0, 0)),
            pl.BlockSpec((BN, D), lambda r, n: (n, 0)),
        ],
        out_specs=pl.BlockSpec((BN, D), lambda r, n: (n, r)),
        out_shape=jax.ShapeDtypeStruct((N, R * D), jnp.float32),
        scratch_shapes=[pltpu.VMEM((D, D), jnp.float32)],
    )(a, V, h)


def _sc_mesh():
    return plsc.VectorSubcoreMesh(core_axis_name="c", subcore_axis_name="s",
                                  num_cores=NC, num_subcores=NS)


def _edges_body(hr, srcr, dstr, etr, z128r, agg_out,
                dst_s, et_s, flat_s, rows_v, agg_sh, sem):
    c = lax.axis_index("c")
    s = lax.axis_index("s")
    w = c * NS + s
    tb = s * NODES_T

    pltpu.sync_copy(z128r, agg_sh.at[pl.ds(tb, NODES_T)])

    erow = w * ROWS_W
    pltpu.sync_copy(srcr.at[pl.ds(erow, ROWS_W)], flat_s)
    pltpu.sync_copy(dstr.at[pl.ds(erow, ROWS_W)], dst_s)
    pltpu.sync_copy(etr.at[pl.ds(erow, ROWS_W)], et_s)

    def fbody(j, carry):
        for k in range(CH // L):
            sl = pl.ds(k * L, L)
            flat_s[j, sl] = flat_s[j, sl] * R + et_s[j, sl]
        return carry

    lax.fori_loop(0, ROWS_W, fbody, 0)
    plsc.subcore_barrier()

    def cbody(j, carry):
        pltpu.async_copy(hr.at[flat_s.at[j]], rows_v, sem).wait()
        pltpu.sync_copy(rows_v, agg_sh.at[dst_s.at[j]], add=True)
        return carry

    lax.fori_loop(0, ROWS_W, cbody, 0)
    plsc.subcore_barrier()

    pltpu.sync_copy(agg_sh.at[pl.ds(tb, NODES_T)],
                    agg_out.at[c, pl.ds(tb, NODES_T)])


def _sc_edges(hr, srcr, dstr, etr, z128r):
    return pl.kernel(
        _edges_body,
        out_type=jax.ShapeDtypeStruct((NC, NPAD, D), jnp.float32),
        mesh=_sc_mesh(),
        scratch_types=(
            pltpu.VMEM((ROWS_W, CH), jnp.int32),
            pltpu.VMEM((ROWS_W, CH), jnp.int32),
            pltpu.VMEM((ROWS_W, CH), jnp.int32),
            pltpu.VMEM((CH, D), jnp.float32),
            pltpu.VMEM_SHARED((NPAD, D), jnp.float32),
            pltpu.SemaphoreType.DMA,
        ),
    )(hr, srcr, dstr, etr, z128r)


def _deg_body(dstr, z128r, ones_r, deg_out, dst_s, ones_v, deg_sh):
    c = lax.axis_index("c")
    s = lax.axis_index("s")
    w = c * NS + s
    tb = s * NODES_T

    pltpu.sync_copy(z128r, deg_sh.at[pl.ds(tb, NODES_T)])
    pltpu.sync_copy(ones_r, ones_v)
    pltpu.sync_copy(dstr.at[pl.ds(w * ROWS_W, ROWS_W)], dst_s)
    plsc.subcore_barrier()

    def cbody(j, carry):
        pltpu.sync_copy(ones_v, deg_sh.at[dst_s.at[j]], add=True)
        return carry

    lax.fori_loop(0, ROWS_W, cbody, 0)
    plsc.subcore_barrier()
    pltpu.sync_copy(deg_sh.at[pl.ds(tb, NODES_T)],
                    deg_out.at[c, pl.ds(tb, NODES_T)])


def _sc_deg(dstr, z128r, ones_r):
    return pl.kernel(
        _deg_body,
        out_type=jax.ShapeDtypeStruct((NC, NPAD, D), jnp.float32),
        mesh=_sc_mesh(),
        scratch_types=(
            pltpu.VMEM((ROWS_W, CH), jnp.int32),
            pltpu.VMEM((CH, D), jnp.float32),
            pltpu.VMEM_SHARED((NPAD, D), jnp.float32),
        ),
    )(dstr, z128r, ones_r)


def _comb_body(agg_ref, deg_ref, h_ref, loop_ref, b_ref, out_ref, *, relu):
    agg = agg_ref[0] + agg_ref[1]
    deg = deg_ref[0][:, 0:1] + deg_ref[1][:, 0:1]
    norm = 1.0 / jnp.maximum(deg, 1.0)
    res = agg * norm + jnp.dot(h_ref[...], loop_ref[...],
                               preferred_element_type=jnp.float32) + b_ref[...]
    out_ref[...] = jnp.maximum(res, 0.0) if relu else res


def _comb(aggP, degw, h, loop, b2d, relu):
    return pl.pallas_call(
        functools.partial(_comb_body, relu=relu),
        grid=(N // BN,),
        in_specs=[
            pl.BlockSpec((NC, BN, D), lambda n: (0, n, 0)),
            pl.BlockSpec((NC, BN, D), lambda n: (0, n, 0)),
            pl.BlockSpec((BN, D), lambda n: (n, 0)),
            pl.BlockSpec((D, D), lambda n: (0, 0)),
            pl.BlockSpec((1, D), lambda n: (0, 0)),
        ],
        out_specs=pl.BlockSpec((BN, D), lambda n: (n, 0)),
        out_shape=jax.ShapeDtypeStruct((N, D), jnp.float32),
    )(aggP, degw, h, loop, b2d)


def kernel(x, edge_index, edge_type, V1, a1, loop1, b1, V2, a2, loop2, b2):
    src = edge_index[0].astype(jnp.int32)
    dst = edge_index[1].astype(jnp.int32)
    et = edge_type.astype(jnp.int32)
    pad = EPAD - E
    src_p = jnp.pad(src, (0, pad)).reshape(EPAD // CH, CH)
    dst_p = jnp.pad(dst, (0, pad), constant_values=N).reshape(EPAD // CH, CH)
    et_p = jnp.pad(et, (0, pad)).reshape(EPAD // CH, CH)
    z128 = jnp.zeros((NODES_T, D), jnp.float32)
    ones128 = jnp.ones((CH, D), jnp.float32)

    degw = _sc_deg(dst_p, z128, ones128)
    hr1 = _hr_table(x, a1, V1).reshape(N * R, D)
    aggP1 = _sc_edges(hr1, src_p, dst_p, et_p, z128)
    h1 = _comb(aggP1, degw, x, loop1, b1.reshape(1, D), relu=True)
    hr2 = _hr_table(h1, a2, V2).reshape(N * R, D)
    aggP2 = _sc_edges(hr2, src_p, dst_p, et_p, z128)
    out = _comb(aggP2, degw, h1, loop2, b2.reshape(1, D), relu=False)
    return out

# --- scband reference (transcript-rebuilt; emitter-appended) ---
"""Pipeline reference for scband-graph-encoder-13383118094657 (READ-ONLY COPY).

The authoritative reference and input builder live on the scoring server;
editing this copy changes nothing except your own understanding.
"""

import jax, jax.numpy as jnp
import numpy as np

ENT_DIM = 128
NUM_RELS = 50
NUM_BASES = 8
N_NODES = 10000
N_EDGES = 160000


def setup_inputs(seed: int = 0) -> dict:
    key = jax.random.key(seed)
    ks = jax.random.split(key, 12)
    x = jax.random.normal(ks[0], (N_NODES, ENT_DIM), dtype=jnp.float32)
    edge_index = jax.random.randint(ks[1], (2, N_EDGES), 0, N_NODES, dtype=jnp.int64)
    edge_type = jax.random.randint(ks[2], (N_EDGES,), 0, NUM_RELS, dtype=jnp.int64)
    s = 1.0 / np.sqrt(ENT_DIM)
    V1 = jax.random.normal(ks[3], (NUM_BASES, ENT_DIM, ENT_DIM), dtype=jnp.float32) * s
    a1 = jax.random.normal(ks[4], (NUM_RELS, NUM_BASES), dtype=jnp.float32) * (1.0 / np.sqrt(NUM_BASES))
    loop1 = jax.random.normal(ks[5], (ENT_DIM, ENT_DIM), dtype=jnp.float32) * s
    b1 = jnp.zeros((ENT_DIM,), dtype=jnp.float32)
    V2 = jax.random.normal(ks[6], (NUM_BASES, ENT_DIM, ENT_DIM), dtype=jnp.float32) * s
    a2 = jax.random.normal(ks[7], (NUM_RELS, NUM_BASES), dtype=jnp.float32) * (1.0 / np.sqrt(NUM_BASES))
    loop2 = jax.random.normal(ks[8], (ENT_DIM, ENT_DIM), dtype=jnp.float32) * s
    b2 = jnp.zeros((ENT_DIM,), dtype=jnp.float32)
    return {"x": x, "edge_index": edge_index, "edge_type": edge_type,
            "V1": V1, "a1": a1, "loop1": loop1, "b1": b1,
            "V2": V2, "a2": a2, "loop2": loop2, "b2": b2}


def _rgcn_layer(h, src, dst, etype, V, a, Wloop, b, act):
    n = h.shape[0]
    out_dim = V.shape[2]
    # basis decomposition: W_r = sum_b a[r, b] * V[b]
    # message m_e = h[src_e] @ W_{etype_e}, computed via per-node basis projections
    hb = jnp.einsum('ni,bio->nbo', h, V)            # [N, B, out]
    ae = a[etype]                                   # [E, B] relation-coeff gather
    msg = jnp.einsum('eb,ebo->eo', ae, hb[src])     # [E, out] gather + combine
    # in-degree normalization (DGL edata['norm'])
    deg = jnp.zeros((n,), dtype=h.dtype).at[dst].add(1.0)
    norm = 1.0 / jnp.clip(deg, 1.0, None)
    msg = msg * norm[dst][:, None]
    agg = jnp.zeros((n, out_dim), dtype=h.dtype).at[dst].add(msg)  # scatter-add
    h_new = agg + h @ Wloop + b                     # self-loop + bias
    if act is not None:
        h_new = act(h_new)
    return h_new


def reference(x, edge_index, edge_type, V1, a1, loop1, b1, V2, a2, loop2, b2):
    src = edge_index[0]
    dst = edge_index[1]
    h = _rgcn_layer(x, src, dst, edge_type, V1, a1, loop1, b1, jax.nn.relu)
    h = _rgcn_layer(h, src, dst, edge_type, V2, a2, loop2, b2, None)
    return h

if __name__ == "__main__":
    import jax
    _d = setup_inputs()
    print(jax.jit(kernel)(*tuple(_d.values())))

</pallas_src>

<mosaic_0001>
#map = affine_map<(d0, d1) -> (0, 0)>
#map1 = affine_map<(d0, d1) -> (0, 0, 0)>
module attributes {stable_mosaic.version = 14 : i64} {
  func.func @_deg_body(%arg0: i32, %arg1: i32, %arg2: memref<1280x128xi32, #tpu.memory_space<hbm>>, %arg3: memref<640x128xf32, #tpu.memory_space<hbm>>, %arg4: memref<128x128xf32, #tpu.memory_space<hbm>>, %arg5: memref<2x10240x128xf32, #tpu.memory_space<hbm>>, %arg6: memref<40x128xi32, #tpu.memory_space<vmem>>, %arg7: memref<128x128xf32, #tpu.memory_space<vmem>>, %arg8: memref<10240x128xf32, #tpu.memory_space<vmem_shared>>) attributes {dimension_semantics = [#tpu.dimension_semantics<core_parallel>, #tpu.dimension_semantics<subcore_parallel>], iteration_bounds = array<i64: 2, 16>, scalar_prefetch = 0 : i64, scratch_operands = 3 : i64, tpu.core_type = #tpu.core_type<sc_vector_subcore>, window_params = [{transform_indices = #map}, {transform_indices = #map}, {transform_indices = #map}, {transform_indices = #map1}]} {
    %mul3A = arith.constant 16 : i32
    %mul3A_0 = arith.muli %arg0, %mul3A : i32
    %add3A = arith.addi %mul3A_0, %arg1 : i32
    %mul3A_1 = arith.constant 640 : i32
    %mul3A_2 = arith.muli %arg1, %mul3A_1 : i32
    "tpu.region"() ({
      %run_scoped3A = tpu.sem_alloc : memref<!tpu.dma_semaphore, #tpu.memory_space<semaphore_mem>>
      %dma_start3A = arith.constant 0 : i32
      %dma_start3A_11 = tpu.memref_slice %arg8[%mul3A_2, %dma_start3A] : memref<10240x128xf32, #tpu.memory_space<vmem_shared>> -> memref<640x128xf32, #tpu.memory_space<vmem_shared>>
      tpu.enqueue_dma source(%arg3 : memref<640x128xf32, #tpu.memory_space<hbm>>) target(%dma_start3A_11 : memref<640x128xf32, #tpu.memory_space<vmem_shared>>) target_semaphore(%run_scoped3A : memref<!tpu.dma_semaphore, #tpu.memory_space<semaphore_mem>>)
      %dma_wait3A = arith.constant 0 : i32
      %dma_wait3A_12 = tpu.memref_slice %arg8[%mul3A_2, %dma_wait3A] : memref<10240x128xf32, #tpu.memory_space<vmem_shared>> -> memref<640x128xf32, #tpu.memory_space<vmem_shared>>
      tpu.wait_dma2 semaphore(%run_scoped3A : memref<!tpu.dma_semaphore, #tpu.memory_space<semaphore_mem>>) src(%arg3 : memref<640x128xf32, #tpu.memory_space<hbm>>) dst(%dma_wait3A_12 : memref<640x128xf32, #tpu.memory_space<vmem_shared>>)
      tpu.yield
    }) : () -> ()
    "tpu.region"() ({
      %run_scoped3A = tpu.sem_alloc : memref<!tpu.dma_semaphore, #tpu.memory_space<semaphore_mem>>
      tpu.enqueue_dma source(%arg4 : memref<128x128xf32, #tpu.memory_space<hbm>>) target(%arg7 : memref<128x128xf32, #tpu.memory_space<vmem>>) target_semaphore(%run_scoped3A : memref<!tpu.dma_semaphore, #tpu.memory_space<semaphore_mem>>)
      tpu.wait_dma2 semaphore(%run_scoped3A : memref<!tpu.dma_semaphore, #tpu.memory_space<semaphore_mem>>) src(%arg4 : memref<128x128xf32, #tpu.memory_space<hbm>>) dst(%arg7 : memref<128x128xf32, #tpu.memory_space<vmem>>)
      tpu.yield
    }) : () -> ()
    %mul3A_3 = arith.constant 40 : i32
    %mul3A_4 = arith.muli %add3A, %mul3A_3 : i32
    "tpu.region"() ({
      %run_scoped3A = tpu.sem_alloc : memref<!tpu.dma_semaphore, #tpu.memory_space<semaphore_mem>>
      %dma_start3A = arith.constant 0 : i32
      %dma_start3A_11 = tpu.memref_slice %arg2[%mul3A_4, %dma_start3A] : memref<1280x128xi32, #tpu.memory_space<hbm>> -> memref<40x128xi32, #tpu.memory_space<hbm>>
      %dma_start3A_12 = arith.constant 0 : i32
      %dma_start3A_13 = tpu.memref_slice %arg2[%mul3A_4, %dma_start3A_12] : memref<1280x128xi32, #tpu.memory_space<hbm>> -> memref<40x128xi32, #tpu.memory_space<hbm>>
      tpu.enqueue_dma source(%dma_start3A_13 : memref<40x128xi32, #tpu.memory_space<hbm>>) target(%arg6 : memref<40x128xi32, #tpu.memory_space<vmem>>) target_semaphore(%run_scoped3A : memref<!tpu.dma_semaphore, #tpu.memory_space<semaphore_mem>>)
      %dma_wait3A = arith.constant 0 : i32
      %dma_wait3A_14 = tpu.memref_slice %arg2[%mul3A_4, %dma_wait3A] : memref<1280x128xi32, #tpu.memory_space<hbm>> -> memref<40x128xi32, #tpu.memory_space<hbm>>
      %dma_wait3A_15 = arith.constant 0 : i32
      %dma_wait3A_16 = tpu.memref_slice %arg2[%mul3A_4, %dma_wait3A_15] : memref<1280x128xi32, #tpu.memory_space<hbm>> -> memref<40x128xi32, #tpu.memory_space<hbm>>
      tpu.wait_dma2 semaphore(%run_scoped3A : memref<!tpu.dma_semaphore, #tpu.memory_space<semaphore_mem>>) src(%dma_wait3A_16 : memref<40x128xi32, #tpu.memory_space<hbm>>) dst(%arg6 : memref<40x128xi32, #tpu.memory_space<vmem>>)
      tpu.yield
    }) : () -> ()
    %barrier3A = arith.constant 0 : index
    tpu.barrier barrier_id(%barrier3A)
    %scan3A = arith.constant 0 : i32
    %scan3A_5 = arith.constant 0 : i32
    %scan3A_6 = arith.constant 40 : i32
    %scan3A_7 = arith.addi %scan3A_5, %scan3A_6 : i32
    %scan3A_8 = arith.constant 1 : i32
    scf.for %scan3A_11 = %scan3A_5 to %scan3A_7 step %scan3A_8  : i32 {
      "tpu.region"() ({
        %run_scoped3A = tpu.sem_alloc : memref<!tpu.dma_semaphore, #tpu.memory_space<semaphore_mem>>
        %dma_start3A = arith.constant 0 : i32
        %dma_start3A_12 = tpu.memref_slice %arg6[%scan3A_11, %dma_start3A] : memref<40x128xi32, #tpu.memory_space<vmem>> -> memref<1x128xi32, #tpu.memory_space<vmem>>
        %dma_start3A_13 = tpu.memref_squeeze %dma_start3A_12 : memref<1x128xi32, #tpu.memory_space<vmem>> -> memref<128xi32, #tpu.memory_space<vmem>>
        %dma_start3A_14 = arith.constant 0 : i32
        %dma_start3A_15 = arith.constant 0 : i32
        %dma_start3A_16 = tpu.memref_slice %arg8[%dma_start3A_14, %dma_start3A_15] : memref<10240x128xf32, #tpu.memory_space<vmem_shared>> -> memref<10240x128xf32, #tpu.memory_space<vmem_shared>>
        tpu.enqueue_indirect_dma source(%arg7 : memref<128x128xf32, #tpu.memory_space<vmem>>) target(%dma_start3A_16 : memref<10240x128xf32, #tpu.memory_space<vmem_shared>>) offsets(%dma_start3A_13 : memref<128xi32, #tpu.memory_space<vmem>>) semaphore(%run_scoped3A : memref<!tpu.dma_semaphore, #tpu.memory_space<semaphore_mem>>) {add = true}
        %dma_wait3A = arith.constant 0 : i32
        %dma_wait3A_17 = tpu.memref_slice %arg6[%scan3A_11, %dma_wait3A] : memref<40x128xi32, #tpu.memory_space<vmem>> -> memref<1x128xi32, #tpu.memory_space<vmem>>
        %dma_wait3A_18 = tpu.memref_squeeze %dma_wait3A_17 : memref<1x128xi32, #tpu.memory_space<vmem>> -> memref<128xi32, #tpu.memory_space<vmem>>
        %dma_wait3A_19 = arith.constant 0 : i32
        %dma_wait3A_20 = arith.constant 0 : i32
        %dma_wait3A_21 = tpu.memref_slice %arg8[%dma_wait3A_19, %dma_wait3A_20] : memref<10240x128xf32, #tpu.memory_space<vmem_shared>> -> memref<10240x128xf32, #tpu.memory_space<vmem_shared>>
        tpu.wait_indirect_dma semaphore(%run_scoped3A : memref<!tpu.dma_semaphore, #tpu.memory_space<semaphore_mem>>) src(%arg7 : memref<128x128xf32, #tpu.memory_space<vmem>>) dst(%dma_wait3A_21 : memref<10240x128xf32, #tpu.memory_space<vmem_shared>>)
        tpu.yield
      }) : () -> ()
    }
    %scan3A_9 = arith.constant 40 : i32
    %barrier3A_10 = arith.constant 0 : index
    tpu.barrier barrier_id(%barrier3A_10)
    "tpu.region"() ({
      %run_scoped3A = tpu.sem_alloc : memref<!tpu.dma_semaphore, #tpu.memory_space<semaphore_mem>>
      %dma_start3A = arith.constant 0 : i32
      %dma_start3A_11 = tpu.memref_slice %arg5[%arg0, %mul3A_2, %dma_start3A] : memref<2x10240x128xf32, #tpu.memory_space<hbm>> -> memref<1x640x128xf32, #tpu.memory_space<hbm>>
      %dma_start3A_12 = tpu.memref_squeeze %dma_start3A_11 : memref<1x640x128xf32, #tpu.memory_space<hbm>> -> memref<640x128xf32, #tpu.memory_space<hbm>>
      %dma_start3A_13 = arith.constant 0 : i32
      %dma_start3A_14 = tpu.memref_slice %arg8[%mul3A_2, %dma_start3A_13] : memref<10240x128xf32, #tpu.memory_space<vmem_shared>> -> memref<640x128xf32, #tpu.memory_space<vmem_shared>>
      tpu.enqueue_dma source(%dma_start3A_14 : memref<640x128xf32, #tpu.memory_space<vmem_shared>>) target(%dma_start3A_12 : memref<640x128xf32, #tpu.memory_space<hbm>>) target_semaphore(%run_scoped3A : memref<!tpu.dma_semaphore, #tpu.memory_space<semaphore_mem>>)
      %dma_wait3A = arith.constant 0 : i32
      %dma_wait3A_15 = tpu.memref_slice %arg5[%arg0, %mul3A_2, %dma_wait3A] : memref<2x10240x128xf32, #tpu.memory_space<hbm>> -> memref<1x640x128xf32, #tpu.memory_space<hbm>>
      %dma_wait3A_16 = tpu.memref_squeeze %dma_wait3A_15 : memref<1x640x128xf32, #tpu.memory_space<hbm>> -> memref<640x128xf32, #tpu.memory_space<hbm>>
      %dma_wait3A_17 = arith.constant 0 : i32
      %dma_wait3A_18 = tpu.memref_slice %arg8[%mul3A_2, %dma_wait3A_17] : memref<10240x128xf32, #tpu.memory_space<vmem_shared>> -> memref<640x128xf32, #tpu.memory_space<vmem_shared>>
      tpu.wait_dma2 semaphore(%run_scoped3A : memref<!tpu.dma_semaphore, #tpu.memory_space<semaphore_mem>>) src(%dma_wait3A_18 : memref<640x128xf32, #tpu.memory_space<vmem_shared>>) dst(%dma_wait3A_16 : memref<640x128xf32, #tpu.memory_space<hbm>>)
      tpu.yield
    }) : () -> ()
    return
  }
}

#map = affine_map<(d0, d1) -> (0, 0)>
#map1 = affine_map<(d0, d1) -> (0, 0, 0)>
module attributes {stable_mosaic.version = 14 : i64} {
  func.func @_edges_body(%arg0: i32, %arg1: i32, %arg2: memref<500000x128xf32, #tpu.memory_space<hbm>>, %arg3: memref<1280x128xi32, #tpu.memory_space<hbm>>, %arg4: memref<1280x128xi32, #tpu.memory_space<hbm>>, %arg5: memref<1280x128xi32, #tpu.memory_space<hbm>>, %arg6: memref<640x128xf32, #tpu.memory_space<hbm>>, %arg7: memref<2x10240x128xf32, #tpu.memory_space<hbm>>, %arg8: memref<40x128xi32, #tpu.memory_space<vmem>>, %arg9: memref<40x128xi32, #tpu.memory_space<vmem>>, %arg10: memref<40x128xi32, #tpu.memory_space<vmem>>, %arg11: memref<128x128xf32, #tpu.memory_space<vmem>>, %arg12: memref<10240x128xf32, #tpu.memory_space<vmem_shared>>, %arg13: memref<!tpu.dma_semaphore, #tpu.memory_space<semaphore_mem>>) attributes {dimension_semantics = [#tpu.dimension_semantics<core_parallel>, #tpu.dimension_semantics<subcore_parallel>], iteration_bounds = array<i64: 2, 16>, scalar_prefetch = 0 : i64, scratch_operands = 6 : i64, tpu.core_type = #tpu.core_type<sc_vector_subcore>, window_params = [{transform_indices = #map}, {transform_indices = #map}, {transform_indices = #map}, {transform_indices = #map}, {transform_indices = #map}, {transform_indices = #map1}]} {
    %mul3A = arith.constant 16 : i32
    %mul3A_0 = arith.muli %arg0, %mul3A : i32
    %add3A = arith.addi %mul3A_0, %arg1 : i32
    %mul3A_1 = arith.constant 640 : i32
    %mul3A_2 = arith.muli %arg1, %mul3A_1 : i32
    "tpu.region"() ({
      %run_scoped3A = tpu.sem_alloc : memref<!tpu.dma_semaphore, #tpu.memory_space<semaphore_mem>>
      %dma_start3A = arith.constant 0 : i32
      %dma_start3A_17 = tpu.memref_slice %arg12[%mul3A_2, %dma_start3A] : memref<10240x128xf32, #tpu.memory_space<vmem_shared>> -> memref<640x128xf32, #tpu.memory_space<vmem_shared>>
      tpu.enqueue_dma source(%arg6 : memref<640x128xf32, #tpu.memory_space<hbm>>) target(%dma_start3A_17 : memref<640x128xf32, #tpu.memory_space<vmem_shared>>) target_semaphore(%run_scoped3A : memref<!tpu.dma_semaphore, #tpu.memory_space<semaphore_mem>>)
      %dma_wait3A = arith.constant 0 : i32
      %dma_wait3A_18 = tpu.memref_slice %arg12[%mul3A_2, %dma_wait3A] : memref<10240x128xf32, #tpu.memory_space<vmem_shared>> -> memref<640x128xf32, #tpu.memory_space<vmem_shared>>
      tpu.wait_dma2 semaphore(%run_scoped3A : memref<!tpu.dma_semaphore, #tpu.memory_space<semaphore_mem>>) src(%arg6 : memref<640x128xf32, #tpu.memory_space<hbm>>) dst(%dma_wait3A_18 : memref<640x128xf32, #tpu.memory_space<vmem_shared>>)
      tpu.yield
    }) : () -> ()
    %mul3A_3 = arith.constant 40 : i32
    %mul3A_4 = arith.muli %add3A, %mul3A_3 : i32
    "tpu.region"() ({
      %run_scoped3A = tpu.sem_alloc : memref<!tpu.dma_semaphore, #tpu.memory_space<semaphore_mem>>
      %dma_start3A = arith.constant 0 : i32
      %dma_start3A_17 = tpu.memref_slice %arg3[%mul3A_4, %dma_start3A] : memref<1280x128xi32, #tpu.memory_space<hbm>> -> memref<40x128xi32, #tpu.memory_space<hbm>>
      %dma_start3A_18 = arith.constant 0 : i32
      %dma_start3A_19 = tpu.memref_slice %arg3[%mul3A_4, %dma_start3A_18] : memref<1280x128xi32, #tpu.memory_space<hbm>> -> memref<40x128xi32, #tpu.memory_space<hbm>>
      tpu.enqueue_dma source(%dma_start3A_19 : memref<40x128xi32, #tpu.memory_space<hbm>>) target(%arg10 : memref<40x128xi32, #tpu.memory_space<vmem>>) target_semaphore(%run_scoped3A : memref<!tpu.dma_semaphore, #tpu.memory_space<semaphore_mem>>)
      %dma_wait3A = arith.constant 0 : i32
      %dma_wait3A_20 = tpu.memref_slice %arg3[%mul3A_4, %dma_wait3A] : memref<1280x128xi32, #tpu.memory_space<hbm>> -> memref<40x128xi32, #tpu.memory_space<hbm>>
      %dma_wait3A_21 = arith.constant 0 : i32
      %dma_wait3A_22 = tpu.memref_slice %arg3[%mul3A_4, %dma_wait3A_21] : memref<1280x128xi32, #tpu.memory_space<hbm>> -> memref<40x128xi32, #tpu.memory_space<hbm>>
      tpu.wait_dma2 semaphore(%run_scoped3A : memref<!tpu.dma_semaphore, #tpu.memory_space<semaphore_mem>>) src(%dma_wait3A_22 : memref<40x128xi32, #tpu.memory_space<hbm>>) dst(%arg10 : memref<40x128xi32, #tpu.memory_space<vmem>>)
      tpu.yield
    }) : () -> ()
    "tpu.region"() ({
      %run_scoped3A = tpu.sem_alloc : memref<!tpu.dma_semaphore, #tpu.memory_space<semaphore_mem>>
      %dma_start3A = arith.constant 0 : i32
      %dma_start3A_17 = tpu.memref_slice %arg4[%mul3A_4, %dma_start3A] : memref<1280x128xi32, #tpu.memory_space<hbm>> -> memref<40x128xi32, #tpu.memory_space<hbm>>
      %dma_start3A_18 = arith.constant 0 : i32
      %dma_start3A_19 = tpu.memref_slice %arg4[%mul3A_4, %dma_start3A_18] : memref<1280x128xi32, #tpu.memory_space<hbm>> -> memref<40x128xi32, #tpu.memory_space<hbm>>
      tpu.enqueue_dma source(%dma_start3A_19 : memref<40x128xi32, #tpu.memory_space<hbm>>) target(%arg8 : memref<40x128xi32, #tpu.memory_space<vmem>>) target_semaphore(%run_scoped3A : memref<!tpu.dma_semaphore, #tpu.memory_space<semaphore_mem>>)
      %dma_wait3A = arith.constant 0 : i32
      %dma_wait3A_20 = tpu.memref_slice %arg4[%mul3A_4, %dma_wait3A] : memref<1280x128xi32, #tpu.memory_space<hbm>> -> memref<40x128xi32, #tpu.memory_space<hbm>>
      %dma_wait3A_21 = arith.constant 0 : i32
      %dma_wait3A_22 = tpu.memref_slice %arg4[%mul3A_4, %dma_wait3A_21] : memref<1280x128xi32, #tpu.memory_space<hbm>> -> memref<40x128xi32, #tpu.memory_space<hbm>>
      tpu.wait_dma2 semaphore(%run_scoped3A : memref<!tpu.dma_semaphore, #tpu.memory_space<semaphore_mem>>) src(%dma_wait3A_22 : memref<40x128xi32, #tpu.memory_space<hbm>>) dst(%arg8 : memref<40x128xi32, #tpu.memory_space<vmem>>)
      tpu.yield
    }) : () -> ()
    "tpu.region"() ({
      %run_scoped3A = tpu.sem_alloc : memref<!tpu.dma_semaphore, #tpu.memory_space<semaphore_mem>>
      %dma_start3A = arith.constant 0 : i32
      %dma_start3A_17 = tpu.memref_slice %arg5[%mul3A_4, %dma_start3A] : memref<1280x128xi32, #tpu.memory_space<hbm>> -> memref<40x128xi32, #tpu.memory_space<hbm>>
      %dma_start3A_18 = arith.constant 0 : i32
      %dma_start3A_19 = tpu.memref_slice %arg5[%mul3A_4, %dma_start3A_18] : memref<1280x128xi32, #tpu.memory_space<hbm>> -> memref<40x128xi32, #tpu.memory_space<hbm>>
      tpu.enqueue_dma source(%dma_start3A_19 : memref<40x128xi32, #tpu.memory_space<hbm>>) target(%arg9 : memref<40x128xi32, #tpu.memory_space<vmem>>) target_semaphore(%run_scoped3A : memref<!tpu.dma_semaphore, #tpu.memory_space<semaphore_mem>>)
      %dma_wait3A = arith.constant 0 : i32
      %dma_wait3A_20 = tpu.memref_slice %arg5[%mul3A_4, %dma_wait3A] : memref<1280x128xi32, #tpu.memory_space<hbm>> -> memref<40x128xi32, #tpu.memory_space<hbm>>
      %dma_wait3A_21 = arith.constant 0 : i32
      %dma_wait3A_22 = tpu.memref_slice %arg5[%mul3A_4, %dma_wait3A_21] : memref<1280x128xi32, #tpu.memory_space<hbm>> -> memref<40x128xi32, #tpu.memory_space<hbm>>
      tpu.wait_dma2 semaphore(%run_scoped3A : memref<!tpu.dma_semaphore, #tpu.memory_space<semaphore_mem>>) src(%dma_wait3A_22 : memref<40x128xi32, #tpu.memory_space<hbm>>) dst(%arg9 : memref<40x128xi32, #tpu.memory_space<vmem>>)
      tpu.yield
    }) : () -> ()
    %scan3A = arith.constant 0 : i32
    %scan3A_5 = arith.constant 0 : i32
    %scan3A_6 = arith.constant 40 : i32
    %scan3A_7 = arith.addi %scan3A_5, %scan3A_6 : i32
    %scan3A_8 = arith.constant 1 : i32
    scf.for %scan3A_17 = %scan3A_5 to %scan3A_7 step %scan3A_8  : i32 {
      %get3A = arith.index_cast %scan3A_17 : i32 to index
      %get3A_18 = arith.constant 0 : index
      %get3A_19 = tpu.vector_load %arg10[%get3A, %get3A_18] {strides = array<i32>} : memref<40x128xi32, #tpu.memory_space<vmem>>, vector<1x16xi32>,
      %get3A_20 = vector.shape_cast %get3A_19 : vector<1x16xi32> to vector<16xi32>
      %mul3A_21 = arith.constant 50 : i32
      %mul3A_22 = vector.broadcast %mul3A_21 : i32 to vector<16xi32>
      %mul3A_23 = arith.muli %get3A_20, %mul3A_22 : vector<16xi32>
      %get3A_24 = arith.index_cast %scan3A_17 : i32 to index
      %get3A_25 = arith.constant 0 : index
      %get3A_26 = tpu.vector_load %arg9[%get3A_24, %get3A_25] {strides = array<i32>} : memref<40x128xi32, #tpu.memory_space<vmem>>, vector<1x16xi32>,
      %get3A_27 = vector.shape_cast %get3A_26 : vector<1x16xi32> to vector<16xi32>
      %add3A_28 = arith.addi %mul3A_23, %get3A_27 : vector<16xi32>
      %swap3A = arith.index_cast %scan3A_17 : i32 to index
      %swap3A_29 = arith.constant 0 : index
      %swap3A_30 = tpu.vector_load %arg10[%swap3A, %swap3A_29] {strides = array<i32>} : memref<40x128xi32, #tpu.memory_space<vmem>>, vector<1x16xi32>,
      %swap3A_31 = vector.shape_cast %swap3A_30 : vector<1x16xi32> to vector<16xi32>
      %swap3A_32 = vector.shape_cast %add3A_28 : vector<16xi32> to vector<1x16xi32>
      tpu.vector_store %arg10[%swap3A, %swap3A_29], %swap3A_32 {strides = array<i32>} : memref<40x128xi32, #tpu.memory_space<vmem>>, vector<1x16xi32>,
      %get3A_33 = arith.index_cast %scan3A_17 : i32 to index
      %get3A_34 = arith.constant 16 : index
      %get3A_35 = tpu.vector_load %arg10[%get3A_33, %get3A_34] {strides = array<i32>} : memref<40x128xi32, #tpu.memory_space<vmem>>, vector<1x16xi32>,
      %get3A_36 = vector.shape_cast %get3A_35 : vector<1x16xi32> to vector<16xi32>
      %mul3A_37 = arith.constant 50 : i32
      %mul3A_38 = vector.broadcast %mul3A_37 : i32 to vector<16xi32>
      %mul3A_39 = arith.muli %get3A_36, %mul3A_38 : vector<16xi32>
      %get3A_40 = arith.index_cast %scan3A_17 : i32 to index
      %get3A_41 = arith.constant 16 : index
      %get3A_42 = tpu.vector_load %arg9[%get3A_40, %get3A_41] {strides = array<i32>} : memref<40x128xi32, #tpu.memory_space<vmem>>, vector<1x16xi32>,
      %get3A_43 = vector.shape_cast %get3A_42 : vector<1x16xi32> to vector<16xi32>
      %add3A_44 = arith.addi %mul3A_39, %get3A_43 : vector<16xi32>
      %swap3A_45 = arith.index_cast %scan3A_17 : i32 to index
      %swap3A_46 = arith.constant 16 : index
      %swap3A_47 = tpu.vector_load %arg10[%swap3A_45, %swap3A_46] {strides = array<i32>} : memref<40x128xi32, #tpu.memory_space<vmem>>, vector<1x16xi32>,
      %swap3A_48 = vector.shape_cast %swap3A_47 : vector<1x16xi32> to vector<16xi32>
      %swap3A_49 = vector.shape_cast %add3A_44 : vector<16xi32> to vector<1x16xi32>
      tpu.vector_store %arg10[%swap3A_45, %swap3A_46], %swap3A_49 {strides = array<i32>} : memref<40x128xi32, #tpu.memory_space<vmem>>, vector<1x16xi32>,
      %get3A_50 = arith.index_cast %scan3A_17 : i32 to index
      %get3A_51 = arith.constant 32 : index
      %get3A_52 = tpu.vector_load %arg10[%get3A_50, %get3A_51] {strides = array<i32>} : memref<40x128xi32, #tpu.memory_space<vmem>>, vector<1x16xi32>,
      %get3A_53 = vector.shape_cast %get3A_52 : vector<1x16xi32> to vector<16xi32>
      %mul3A_54 = arith.constant 50 : i32
      %mul3A_55 = vector.broadcast %mul3A_54 : i32 to vector<16xi32>
      %mul3A_56 = arith.muli %get3A_53, %mul3A_55 : vector<16xi32>
      %get3A_57 = arith.index_cast %scan3A_17 : i32 to index
      %get3A_58 = arith.constant 32 : index
      %get3A_59 = tpu.vector_load %arg9[%get3A_57, %get3A_58] {strides = array<i32>} : memref<40x128xi32, #tpu.memory_space<vmem>>, vector<1x16xi32>,
      %get3A_60 = vector.shape_cast %get3A_59 : vector<1x16xi32> to vector<16xi32>
      %add3A_61 = arith.addi %mul3A_56, %get3A_60 : vector<16xi32>
      %swap3A_62 = arith.index_cast %scan3A_17 : i32 to index
      %swap3A_63 = arith.constant 32 : index
      %swap3A_64 = tpu.vector_load %arg10[%swap3A_62, %swap3A_63] {strides = array<i32>} : memref<40x128xi32, #tpu.memory_space<vmem>>, vector<1x16xi32>,
      %swap3A_65 = vector.shape_cast %swap3A_64 : vector<1x16xi32> to vector<16xi32>
      %swap3A_66 = vector.shape_cast %add3A_61 : vector<16xi32> to vector<1x16xi32>
      tpu.vector_store %arg10[%swap3A_62, %swap3A_63], %swap3A_66 {strides = array<i32>} : memref<40x128xi32, #tpu.memory_space<vmem>>, vector<1x16xi32>,
      %get3A_67 = arith.index_cast %scan3A_17 : i32 to index
      %get3A_68 = arith.constant 48 : index
      %get3A_69 = tpu.vector_load %arg10[%get3A_67, %get3A_68] {strides = array<i32>} : memref<40x128xi32, #tpu.memory_space<vmem>>, vector<1x16xi32>,
      %get3A_70 = vector.shape_cast %get3A_69 : vector<1x16xi32> to vector<16xi32>
      %mul3A_71 = arith.constant 50 : i32
      %mul3A_72 = vector.broadcast %mul3A_71 : i32 to vector<16xi32>
      %mul3A_73 = arith.muli %get3A_70, %mul3A_72 : vector<16xi32>
      %get3A_74 = arith.index_cast %scan3A_17 : i32 to index
      %get3A_75 = arith.constant 48 : index
      %get3A_76 = tpu.vector_load %arg9[%get3A_74, %get3A_75] {strides = array<i32>} : memref<40x128xi32, #tpu.memory_space<vmem>>, vector<1x16xi32>,
      %get3A_77 = vector.shape_cast %get3A_76 : vector<1x16xi32> to vector<16xi32>
      %add3A_78 = arith.addi %mul3A_73, %get3A_77 : vector<16xi32>
      %swap3A_79 = arith.index_cast %scan3A_17 : i32 to index
      %swap3A_80 = arith.constant 48 : index
      %swap3A_81 = tpu.vector_load %arg10[%swap3A_79, %swap3A_80] {strides = array<i32>} : memref<40x128xi32, #tpu.memory_space<vmem>>, vector<1x16xi32>,
      %swap3A_82 = vector.shape_cast %swap3A_81 : vector<1x16xi32> to vector<16xi32>
      %swap3A_83 = vector.shape_cast %add3A_78 : vector<16xi32> to vector<1x16xi32>
      tpu.vector_store %arg10[%swap3A_79, %swap3A_80], %swap3A_83 {strides = array<i32>} : memref<40x128xi32, #tpu.memory_space<vmem>>, vector<1x16xi32>,
      %get3A_84 = arith.index_cast %scan3A_17 : i32 to index
      %get3A_85 = arith.constant 64 : index
      %get3A_86 = tpu.vector_load %arg10[%get3A_84, %get3A_85] {strides = array<i32>} : memref<40x128xi32, #tpu.memory_space<vmem>>, vector<1x16xi32>,
      %get3A_87 = vector.shape_cast %get3A_86 : vector<1x16xi32> to vector<16xi32>
      %mul3A_88 = arith.constant 50 : i32
      %mul3A_89 = vector.broadcast %mul3A_88 : i32 to vector<16xi32>
      %mul3A_90 = arith.muli %get3A_87, %mul3A_89 : vector<16xi32>
      %get3A_91 = arith.index_cast %scan3A_17 : i32 to index
      %get3A_92 = arith.constant 64 : index
      %get3A_93 = tpu.vector_load %arg9[%get3A_91, %get3A_92] {strides = array<i32>} : memref<40x128xi32, #tpu.memory_space<vmem>>, vector<1x16xi32>,
      %get3A_94 = vector.shape_cast %get3A_93 : vector<1x16xi32> to vector<16xi32>
      %add3A_95 = arith.addi %mul3A_90, %get3A_94 : vector<16xi32>
      %swap3A_96 = arith.index_cast %scan3A_17 : i32 to index
      %swap3A_97 = arith.constant 64 : index
      %swap3A_98 = tpu.vector_load %arg10[%swap3A_96, %swap3A_97] {strides = array<i32>} : memref<40x128xi32, #tpu.memory_space<vmem>>, vector<1x16xi32>,
      %swap3A_99 = vector.shape_cast %swap3A_98 : vector<1x16xi32> to vector<16xi32>
      %swap3A_100 = vector.shape_cast %add3A_95 : vector<16xi32> to vector<1x16xi32>
      tpu.vector_store %arg10[%swap3A_96, %swap3A_97], %swap3A_100 {strides = array<i32>} : memref<40x128xi32, #tpu.memory_space<vmem>>, vector<1x16xi32>,
      %get3A_101 = arith.index_cast %scan3A_17 : i32 to index
      %get3A_102 = arith.constant 80 : index
      %get3A_103 = tpu.vector_load %arg10[%get3A_101, %get3A_102] {strides = array<i32>} : memref<40x128xi32, #tpu.memory_space<vmem>>, vector<1x16xi32>,
      %get3A_104 = vector.shape_cast %get3A_103 : vector<1x16xi32> to vector<16xi32>
      %mul3A_105 = arith.constant 50 : i32
      %mul3A_106 = vector.broadcast %mul3A_105 : i32 to vector<16xi32>
      %mul3A_107 = arith.muli %get3A_104, %mul3A_106 : vector<16xi32>
      %get3A_108 = arith.index_cast %scan3A_17 : i32 to index
      %get3A_109 = arith.constant 80 : index
      %get3A_110 = tpu.vector_load %arg9[%get3A_108, %get3A_109] {strides = array<i32>} : memref<40x128xi32, #tpu.memory_space<vmem>>, vector<1x16xi32>,
      %get3A_111 = vector.shape_cast %get3A_110 : vector<1x16xi32> to vector<16xi32>
      %add3A_112 = arith.addi %mul3A_107, %get3A_111 : vector<16xi32>
      %swap3A_113 = arith.index_cast %scan3A_17 : i32 to index
      %swap3A_114 = arith.constant 80 : index
      %swap3A_115 = tpu.vector_load %arg10[%swap3A_113, %swap3A_114] {strides = array<i32>} : memref<40x128xi32, #tpu.memory_space<vmem>>, vector<1x16xi32>,
      %swap3A_116 = vector.shape_cast %swap3A_115 : vector<1x16xi32> to vector<16xi32>
      %swap3A_117 = vector.shape_cast %add3A_112 : vector<16xi32> to vector<1x16xi32>
      tpu.vector_store %arg10[%swap3A_113, %swap3A_114], %swap3A_117 {strides = array<i32>} : memref<40x128xi32, #tpu.memory_space<vmem>>, vector<1x16xi32>,
      %get3A_118 = arith.index_cast %scan3A_17 : i32 to index
      %get3A_119 = arith.constant 96 : index
      %get3A_120 = tpu.vector_load %arg10[%get3A_118, %get3A_119] {strides = array<i32>} : memref<40x128xi32, #tpu.memory_space<vmem>>, vector<1x16xi32>,
      %get3A_121 = vector.shape_cast %get3A_120 : vector<1x16xi32> to vector<16xi32>
      %mul3A_122 = arith.constant 50 : i32
      %mul3A_123 = vector.broadcast %mul3A_122 : i32 to vector<16xi32>
      %mul3A_124 = arith.muli %get3A_121, %mul3A_123 : vector<16xi32>
      %get3A_125 = arith.index_cast %scan3A_17 : i32 to index
      %get3A_126 = arith.constant 96 : index
      %get3A_127 = tpu.vector_load %arg9[%get3A_125, %get3A_126] {strides = array<i32>} : memref<40x128xi32, #tpu.memory_space<vmem>>, vector<1x16xi32>,
      %get3A_128 = vector.shape_cast %get3A_127 : vector<1x16xi32> to vector<16xi32>
      %add3A_129 = arith.addi %mul3A_124, %get3A_128 : vector<16xi32>
      %swap3A_130 = arith.index_cast %scan3A_17 : i32 to index
      %swap3A_131 = arith.constant 96 : index
      %swap3A_132 = tpu.vector_load %arg10[%swap3A_130, %swap3A_131] {strides = array<i32>} : memref<40x128xi32, #tpu.memory_space<vmem>>, vector<1x16xi32>,
      %swap3A_133 = vector.shape_cast %swap3A_132 : vector<1x16xi32> to vector<16xi32>
      %swap3A_134 = vector.shape_cast %add3A_129 : vector<16xi32> to vector<1x16xi32>
      tpu.vector_store %arg10[%swap3A_130, %swap3A_131], %swap3A_134 {strides = array<i32>} : memref<40x128xi32, #tpu.memory_space<vmem>>, vector<1x16xi32>,
      %get3A_135 = arith.index_cast %scan3A_17 : i32 to index
      %get3A_136 = arith.constant 112 : index
      %get3A_137 = tpu.vector_load %arg10[%get3A_135, %get3A_136] {strides = array<i32>} : memref<40x128xi32, #tpu.memory_space<vmem>>, vector<1x16xi32>,
      %get3A_138 = vector.shape_cast %get3A_137 : vector<1x16xi32> to vector<16xi32>
      %mul3A_139 = arith.constant 50 : i32
      %mul3A_140 = vector.broadcast %mul3A_139 : i32 to vector<16xi32>
      %mul3A_141 = arith.muli %get3A_138, %mul3A_140 : vector<16xi32>
      %get3A_142 = arith.index_cast %scan3A_17 : i32 to index
      %get3A_143 = arith.constant 112 : index
      %get3A_144 = tpu.vector_load %arg9[%get3A_142, %get3A_143] {strides = array<i32>} : memref<40x128xi32, #tpu.memory_space<vmem>>, vector<1x16xi32>,
      %get3A_145 = vector.shape_cast %get3A_144 : vector<1x16xi32> to vector<16xi32>
      %add3A_146 = arith.addi %mul3A_141, %get3A_145 : vector<16xi32>
      %swap3A_147 = arith.index_cast %scan3A_17 : i32 to index
      %swap3A_148 = arith.constant 112 : index
      %swap3A_149 = tpu.vector_load %arg10[%swap3A_147, %swap3A_148] {strides = array<i32>} : memref<40x128xi32, #tpu.memory_space<vmem>>, vector<1x16xi32>,
      %swap3A_150 = vector.shape_cast %swap3A_149 : vector<1x16xi32> to vector<16xi32>
      %swap3A_151 = vector.shape_cast %add3A_146 : vector<16xi32> to vector<1x16xi32>
      tpu.vector_store %arg10[%swap3A_147, %swap3A_148], %swap3A_151 {strides = array<i32>} : memref<40x128xi32, #tpu.memory_space<vmem>>, vector<1x16xi32>,
    }
    %scan3A_9 = arith.constant 40 : i32
    %barrier3A = arith.constant 0 : index
    tpu.barrier barrier_id(%barrier3A)
    %scan3A_10 = arith.constant 0 : i32
    %scan3A_11 = arith.constant 0 : i32
    %scan3A_12 = arith.constant 40 : i32
    %scan3A_13 = arith.addi %scan3A_11, %scan3A_12 : i32
    %scan3A_14 = arith.constant 1 : i32
    scf.for %scan3A_17 = %scan3A_11 to %scan3A_13 step %scan3A_14  : i32 {
      %dma_start3A = arith.constant 0 : i32
      %dma_start3A_18 = tpu.memref_slice %arg10[%scan3A_17, %dma_start3A] : memref<40x128xi32, #tpu.memory_space<vmem>> -> memref<1x128xi32, #tpu.memory_space<vmem>>
      %dma_start3A_19 = tpu.memref_squeeze %dma_start3A_18 : memref<1x128xi32, #tpu.memory_space<vmem>> -> memref<128xi32, #tpu.memory_space<vmem>>
      %dma_start3A_20 = arith.constant 0 : i32
      %dma_start3A_21 = arith.constant 0 : i32
      %dma_start3A_22 = tpu.memref_slice %arg2[%dma_start3A_20, %dma_start3A_21] : memref<500000x128xf32, #tpu.memory_space<hbm>> -> memref<500000x128xf32, #tpu.memory_space<hbm>>
      tpu.enqueue_indirect_dma source(%dma_start3A_22 : memref<500000x128xf32, #tpu.memory_space<hbm>>) target(%arg11 : memref<128x128xf32, #tpu.memory_space<vmem>>) offsets(%dma_start3A_19 : memref<128xi32, #tpu.memory_space<vmem>>) semaphore(%arg13 : memref<!tpu.dma_semaphore, #tpu.memory_space<semaphore_mem>>)
      %dma_wait3A = arith.constant 0 : i32
      %dma_wait3A_23 = tpu.memref_slice %arg10[%scan3A_17, %dma_wait3A] : memref<40x128xi32, #tpu.memory_space<vmem>> -> memref<1x128xi32, #tpu.memory_space<vmem>>
      %dma_wait3A_24 = tpu.memref_squeeze %dma_wait3A_23 : memref<1x128xi32, #tpu.memory_space<vmem>> -> memref<128xi32, #tpu.memory_space<vmem>>
      %dma_wait3A_25 = arith.constant 0 : i32
      %dma_wait3A_26 = arith.constant 0 : i32
      %dma_wait3A_27 = tpu.memref_slice %arg2[%dma_wait3A_25, %dma_wait3A_26] : memref<500000x128xf32, #tpu.memory_space<hbm>> -> memref<500000x128xf32, #tpu.memory_space<hbm>>
      tpu.wait_indirect_dma semaphore(%arg13 : memref<!tpu.dma_semaphore, #tpu.memory_space<semaphore_mem>>) src(%dma_wait3A_27 : memref<500000x128xf32, #tpu.memory_space<hbm>>) dst(%arg11 : memref<128x128xf32, #tpu.memory_space<vmem>>)
      "tpu.region"() ({
        %run_scoped3A = tpu.sem_alloc : memref<!tpu.dma_semaphore, #tpu.memory_space<semaphore_mem>>
        %dma_start3A_28 = arith.constant 0 : i32
        %dma_start3A_29 = tpu.memref_slice %arg8[%scan3A_17, %dma_start3A_28] : memref<40x128xi32, #tpu.memory_space<vmem>> -> memref<1x128xi32, #tpu.memory_space<vmem>>
        %dma_start3A_30 = tpu.memref_squeeze %dma_start3A_29 : memref<1x128xi32, #tpu.memory_space<vmem>> -> memref<128xi32, #tpu.memory_space<vmem>>
        %dma_start3A_31 = arith.constant 0 : i32
        %dma_start3A_32 = arith.constant 0 : i32
        %dma_start3A_33 = tpu.memref_slice %arg12[%dma_start3A_31, %dma_start3A_32] : memref<10240x128xf32, #tpu.memory_space<vmem_shared>> -> memref<10240x128xf32, #tpu.memory_space<vmem_shared>>
        tpu.enqueue_indirect_dma source(%arg11 : memref<128x128xf32, #tpu.memory_space<vmem>>) target(%dma_start3A_33 : memref<10240x128xf32, #tpu.memory_space<vmem_shared>>) offsets(%dma_start3A_30 : memref<128xi32, #tpu.memory_space<vmem>>) semaphore(%run_scoped3A : memref<!tpu.dma_semaphore, #tpu.memory_space<semaphore_mem>>) {add = true}
        %dma_wait3A_34 = arith.constant 0 : i32
        %dma_wait3A_35 = tpu.memref_slice %arg8[%scan3A_17, %dma_wait3A_34] : memref<40x128xi32, #tpu.memory_space<vmem>> -> memref<1x128xi32, #tpu.memory_space<vmem>>
        %dma_wait3A_36 = tpu.memref_squeeze %dma_wait3A_35 : memref<1x128xi32, #tpu.memory_space<vmem>> -> memref<128xi32, #tpu.memory_space<vmem>>
        %dma_wait3A_37 = arith.constant 0 : i32
        %dma_wait3A_38 = arith.constant 0 : i32
        %dma_wait3A_39 = tpu.memref_slice %arg12[%dma_wait3A_37, %dma_wait3A_38] : memref<10240x128xf32, #tpu.memory_space<vmem_shared>> -> memref<10240x128xf32, #tpu.memory_space<vmem_shared>>
        tpu.wait_indirect_dma semaphore(%run_scoped3A : memref<!tpu.dma_semaphore, #tpu.memory_space<semaphore_mem>>) src(%arg11 : memref<128x128xf32, #tpu.memory_space<vmem>>) dst(%dma_wait3A_39 : memref<10240x128xf32, #tpu.memory_space<vmem_shared>>)
        tpu.yield
      }) : () -> ()
    }
    %scan3A_15 = arith.constant 40 : i32
    %barrier3A_16 = arith.constant 0 : index
    tpu.barrier barrier_id(%barrier3A_16)
    "tpu.region"() ({
      %run_scoped3A = tpu.sem_alloc : memref<!tpu.dma_semaphore, #tpu.memory_space<semaphore_mem>>
      %dma_start3A = arith.constant 0 : i32
      %dma_start3A_17 = tpu.memref_slice %arg7[%arg0, %mul3A_2, %dma_start3A] : memref<2x10240x128xf32, #tpu.memory_space<hbm>> -> memref<1x640x128xf32, #tpu.memory_space<hbm>>
      %dma_start3A_18 = tpu.memref_squeeze %dma_start3A_17 : memref<1x640x128xf32, #tpu.memory_space<hbm>> -> memref<640x128xf32, #tpu.memory_space<hbm>>
      %dma_start3A_19 = arith.constant 0 : i32
      %dma_start3A_20 = tpu.memref_slice %arg12[%mul3A_2, %dma_start3A_19] : memref<10240x128xf32, #tpu.memory_space<vmem_shared>> -> memref<640x128xf32, #tpu.memory_space<vmem_shared>>
      tpu.enqueue_dma source(%dma_start3A_20 : memref<640x128xf32, #tpu.memory_space<vmem_shared>>) target(%dma_start3A_18 : memref<640x128xf32, #tpu.memory_space<hbm>>) target_semaphore(%run_scoped3A : memref<!tpu.dma_semaphore, #tpu.memory_space<semaphore_mem>>)
      %dma_wait3A = arith.constant 0 : i32
      %dma_wait3A_21 = tpu.memref_slice %arg7[%arg0, %mul3A_2, %dma_wait3A] : memref<2x10240x128xf32, #tpu.memory_space<hbm>> -> memref<1x640x128xf32, #tpu.memory_space<hbm>>
      %dma_wait3A_22 = tpu.memref_squeeze %dma_wait3A_21 : memref<1x640x128xf32, #tpu.memory_space<hbm>> -> memref<640x128xf32, #tpu.memory_space<hbm>>
      %dma_wait3A_23 = arith.constant 0 : i32
      %dma_wait3A_24 = tpu.memref_slice %arg12[%mul3A_2, %dma_wait3A_23] : memref<10240x128xf32, #tpu.memory_space<vmem_shared>> -> memref<640x128xf32, #tpu.memory_space<vmem_shared>>
      tpu.wait_dma2 semaphore(%run_scoped3A : memref<!tpu.dma_semaphore, #tpu.memory_space<semaphore_mem>>) src(%dma_wait3A_24 : memref<640x128xf32, #tpu.memory_space<vmem_shared>>) dst(%dma_wait3A_22 : memref<640x128xf32, #tpu.memory_space<hbm>>)
      tpu.yield
    }) : () -> ()
    return
  }
}

#map = affine_map<(d0, d1) -> (0, 0)>
#map1 = affine_map<(d0, d1) -> (0, 0, 0)>
module attributes {stable_mosaic.version = 14 : i64} {
  func.func @_edges_body(%arg0: i32, %arg1: i32, %arg2: memref<500000x128xf32, #tpu.memory_space<hbm>>, %arg3: memref<1280x128xi32, #tpu.memory_space<hbm>>, %arg4: memref<1280x128xi32, #tpu.memory_space<hbm>>, %arg5: memref<1280x128xi32, #tpu.memory_space<hbm>>, %arg6: memref<640x128xf32, #tpu.memory_space<hbm>>, %arg7: memref<2x10240x128xf32, #tpu.memory_space<hbm>>, %arg8: memref<40x128xi32, #tpu.memory_space<vmem>>, %arg9: memref<40x128xi32, #tpu.memory_space<vmem>>, %arg10: memref<40x128xi32, #tpu.memory_space<vmem>>, %arg11: memref<128x128xf32, #tpu.memory_space<vmem>>, %arg12: memref<10240x128xf32, #tpu.memory_space<vmem_shared>>, %arg13: memref<!tpu.dma_semaphore, #tpu.memory_space<semaphore_mem>>) attributes {dimension_semantics = [#tpu.dimension_semantics<core_parallel>, #tpu.dimension_semantics<subcore_parallel>], iteration_bounds = array<i64: 2, 16>, scalar_prefetch = 0 : i64, scratch_operands = 6 : i64, tpu.core_type = #tpu.core_type<sc_vector_subcore>, window_params = [{transform_indices = #map}, {transform_indices = #map}, {transform_indices = #map}, {transform_indices = #map}, {transform_indices = #map}, {transform_indices = #map1}]} {
    %mul3A = arith.constant 16 : i32
    %mul3A_0 = arith.muli %arg0, %mul3A : i32
    %add3A = arith.addi %mul3A_0, %arg1 : i32
    %mul3A_1 = arith.constant 640 : i32
    %mul3A_2 = arith.muli %arg1, %mul3A_1 : i32
    "tpu.region"() ({
      %run_scoped3A = tpu.sem_alloc : memref<!tpu.dma_semaphore, #tpu.memory_space<semaphore_mem>>
      %dma_start3A = arith.constant 0 : i32
      %dma_start3A_17 = tpu.memref_slice %arg12[%mul3A_2, %dma_start3A] : memref<10240x128xf32, #tpu.memory_space<vmem_shared>> -> memref<640x128xf32, #tpu.memory_space<vmem_shared>>
      tpu.enqueue_dma source(%arg6 : memref<640x128xf32, #tpu.memory_space<hbm>>) target(%dma_start3A_17 : memref<640x128xf32, #tpu.memory_space<vmem_shared>>) target_semaphore(%run_scoped3A : memref<!tpu.dma_semaphore, #tpu.memory_space<semaphore_mem>>)
      %dma_wait3A = arith.constant 0 : i32
      %dma_wait3A_18 = tpu.memref_slice %arg12[%mul3A_2, %dma_wait3A] : memref<10240x128xf32, #tpu.memory_space<vmem_shared>> -> memref<640x128xf32, #tpu.memory_space<vmem_shared>>
      tpu.wait_dma2 semaphore(%run_scoped3A : memref<!tpu.dma_semaphore, #tpu.memory_space<semaphore_mem>>) src(%arg6 : memref<640x128xf32, #tpu.memory_space<hbm>>) dst(%dma_wait3A_18 : memref<640x128xf32, #tpu.memory_space<vmem_shared>>)
      tpu.yield
    }) : () -> ()
    %mul3A_3 = arith.constant 40 : i32
    %mul3A_4 = arith.muli %add3A, %mul3A_3 : i32
    "tpu.region"() ({
      %run_scoped3A = tpu.sem_alloc : memref<!tpu.dma_semaphore, #tpu.memory_space<semaphore_mem>>
      %dma_start3A = arith.constant 0 : i32
      %dma_start3A_17 = tpu.memref_slice %arg3[%mul3A_4, %dma_start3A] : memref<1280x128xi32, #tpu.memory_space<hbm>> -> memref<40x128xi32, #tpu.memory_space<hbm>>
      %dma_start3A_18 = arith.constant 0 : i32
      %dma_start3A_19 = tpu.memref_slice %arg3[%mul3A_4, %dma_start3A_18] : memref<1280x128xi32, #tpu.memory_space<hbm>> -> memref<40x128xi32, #tpu.memory_space<hbm>>
      tpu.enqueue_dma source(%dma_start3A_19 : memref<40x128xi32, #tpu.memory_space<hbm>>) target(%arg10 : memref<40x128xi32, #tpu.memory_space<vmem>>) target_semaphore(%run_scoped3A : memref<!tpu.dma_semaphore, #tpu.memory_space<semaphore_mem>>)
      %dma_wait3A = arith.constant 0 : i32
      %dma_wait3A_20 = tpu.memref_slice %arg3[%mul3A_4, %dma_wait3A] : memref<1280x128xi32, #tpu.memory_space<hbm>> -> memref<40x128xi32, #tpu.memory_space<hbm>>
      %dma_wait3A_21 = arith.constant 0 : i32
      %dma_wait3A_22 = tpu.memref_slice %arg3[%mul3A_4, %dma_wait3A_21] : memref<1280x128xi32, #tpu.memory_space<hbm>> -> memref<40x128xi32, #tpu.memory_space<hbm>>
      tpu.wait_dma2 semaphore(%run_scoped3A : memref<!tpu.dma_semaphore, #tpu.memory_space<semaphore_mem>>) src(%dma_wait3A_22 : memref<40x128xi32, #tpu.memory_space<hbm>>) dst(%arg10 : memref<40x128xi32, #tpu.memory_space<vmem>>)
      tpu.yield
    }) : () -> ()
    "tpu.region"() ({
      %run_scoped3A = tpu.sem_alloc : memref<!tpu.dma_semaphore, #tpu.memory_space<semaphore_mem>>
      %dma_start3A = arith.constant 0 : i32
      %dma_start3A_17 = tpu.memref_slice %arg4[%mul3A_4, %dma_start3A] : memref<1280x128xi32, #tpu.memory_space<hbm>> -> memref<40x128xi32, #tpu.memory_space<hbm>>
      %dma_start3A_18 = arith.constant 0 : i32
      %dma_start3A_19 = tpu.memref_slice %arg4[%mul3A_4, %dma_start3A_18] : memref<1280x128xi32, #tpu.memory_space<hbm>> -> memref<40x128xi32, #tpu.memory_space<hbm>>
      tpu.enqueue_dma source(%dma_start3A_19 : memref<40x128xi32, #tpu.memory_space<hbm>>) target(%arg8 : memref<40x128xi32, #tpu.memory_space<vmem>>) target_semaphore(%run_scoped3A : memref<!tpu.dma_semaphore, #tpu.memory_space<semaphore_mem>>)
      %dma_wait3A = arith.constant 0 : i32
      %dma_wait3A_20 = tpu.memref_slice %arg4[%mul3A_4, %dma_wait3A] : memref<1280x128xi32, #tpu.memory_space<hbm>> -> memref<40x128xi32, #tpu.memory_space<hbm>>
      %dma_wait3A_21 = arith.constant 0 : i32
      %dma_wait3A_22 = tpu.memref_slice %arg4[%mul3A_4, %dma_wait3A_21] : memref<1280x128xi32, #tpu.memory_space<hbm>> -> memref<40x128xi32, #tpu.memory_space<hbm>>
      tpu.wait_dma2 semaphore(%run_scoped3A : memref<!tpu.dma_semaphore, #tpu.memory_space<semaphore_mem>>) src(%dma_wait3A_22 : memref<40x128xi32, #tpu.memory_space<hbm>>) dst(%arg8 : memref<40x128xi32, #tpu.memory_space<vmem>>)
      tpu.yield
    }) : () -> ()
    "tpu.region"() ({
      %run_scoped3A = tpu.sem_alloc : memref<!tpu.dma_semaphore, #tpu.memory_space<semaphore_mem>>
      %dma_start3A = arith.constant 0 : i32
      %dma_start3A_17 = tpu.memref_slice %arg5[%mul3A_4, %dma_start3A] : memref<1280x128xi32, #tpu.memory_space<hbm>> -> memref<40x128xi32, #tpu.memory_space<hbm>>
      %dma_start3A_18 = arith.constant 0 : i32
      %dma_start3A_19 = tpu.memref_slice %arg5[%mul3A_4, %dma_start3A_18] : memref<1280x128xi32, #tpu.memory_space<hbm>> -> memref<40x128xi32, #tpu.memory_space<hbm>>
      tpu.enqueue_dma source(%dma_start3A_19 : memref<40x128xi32, #tpu.memory_space<hbm>>) target(%arg9 : memref<40x128xi32, #tpu.memory_space<vmem>>) target_semaphore(%run_scoped3A : memref<!tpu.dma_semaphore, #tpu.memory_space<semaphore_mem>>)
      %dma_wait3A = arith.constant 0 : i32
      %dma_wait3A_20 = tpu.memref_slice %arg5[%mul3A_4, %dma_wait3A] : memref<1280x128xi32, #tpu.memory_space<hbm>> -> memref<40x128xi32, #tpu.memory_space<hbm>>
      %dma_wait3A_21 = arith.constant 0 : i32
      %dma_wait3A_22 = tpu.memref_slice %arg5[%mul3A_4, %dma_wait3A_21] : memref<1280x128xi32, #tpu.memory_space<hbm>> -> memref<40x128xi32, #tpu.memory_space<hbm>>
      tpu.wait_dma2 semaphore(%run_scoped3A : memref<!tpu.dma_semaphore, #tpu.memory_space<semaphore_mem>>) src(%dma_wait3A_22 : memref<40x128xi32, #tpu.memory_space<hbm>>) dst(%arg9 : memref<40x128xi32, #tpu.memory_space<vmem>>)
      tpu.yield
    }) : () -> ()
    %scan3A = arith.constant 0 : i32
    %scan3A_5 = arith.constant 0 : i32
    %scan3A_6 = arith.constant 40 : i32
    %scan3A_7 = arith.addi %scan3A_5, %scan3A_6 : i32
    %scan3A_8 = arith.constant 1 : i32
    scf.for %scan3A_17 = %scan3A_5 to %scan3A_7 step %scan3A_8  : i32 {
      %get3A = arith.index_cast %scan3A_17 : i32 to index
      %get3A_18 = arith.constant 0 : index
      %get3A_19 = tpu.vector_load %arg10[%get3A, %get3A_18] {strides = array<i32>} : memref<40x128xi32, #tpu.memory_space<vmem>>, vector<1x16xi32>,
      %get3A_20 = vector.shape_cast %get3A_19 : vector<1x16xi32> to vector<16xi32>
      %mul3A_21 = arith.constant 50 : i32
      %mul3A_22 = vector.broadcast %mul3A_21 : i32 to vector<16xi32>
      %mul3A_23 = arith.muli %get3A_20, %mul3A_22 : vector<16xi32>
      %get3A_24 = arith.index_cast %scan3A_17 : i32 to index
      %get3A_25 = arith.constant 0 : index
      %get3A_26 = tpu.vector_load %arg9[%get3A_24, %get3A_25] {strides = array<i32>} : memref<40x128xi32, #tpu.memory_space<vmem>>, vector<1x16xi32>,
      %get3A_27 = vector.shape_cast %get3A_26 : vector<1x16xi32> to vector<16xi32>
      %add3A_28 = arith.addi %mul3A_23, %get3A_27 : vector<16xi32>
      %swap3A = arith.index_cast %scan3A_17 : i32 to index
      %swap3A_29 = arith.constant 0 : index
      %swap3A_30 = tpu.vector_load %arg10[%swap3A, %swap3A_29] {strides = array<i32>} : memref<40x128xi32, #tpu.memory_space<vmem>>, vector<1x16xi32>,
      %swap3A_31 = vector.shape_cast %swap3A_30 : vector<1x16xi32> to vector<16xi32>
      %swap3A_32 = vector.shape_cast %add3A_28 : vector<16xi32> to vector<1x16xi32>
      tpu.vector_store %arg10[%swap3A, %swap3A_29], %swap3A_32 {strides = array<i32>} : memref<40x128xi32, #tpu.memory_space<vmem>>, vector<1x16xi32>,
      %get3A_33 = arith.index_cast %scan3A_17 : i32 to index
      %get3A_34 = arith.constant 16 : index
      %get3A_35 = tpu.vector_load %arg10[%get3A_33, %get3A_34] {strides = array<i32>} : memref<40x128xi32, #tpu.memory_space<vmem>>, vector<1x16xi32>,
      %get3A_36 = vector.shape_cast %get3A_35 : vector<1x16xi32> to vector<16xi32>
      %mul3A_37 = arith.constant 50 : i32
      %mul3A_38 = vector.broadcast %mul3A_37 : i32 to vector<16xi32>
      %mul3A_39 = arith.muli %get3A_36, %mul3A_38 : vector<16xi32>
      %get3A_40 = arith.index_cast %scan3A_17 : i32 to index
      %get3A_41 = arith.constant 16 : index
      %get3A_42 = tpu.vector_load %arg9[%get3A_40, %get3A_41] {strides = array<i32>} : memref<40x128xi32, #tpu.memory_space<vmem>>, vector<1x16xi32>,
      %get3A_43 = vector.shape_cast %get3A_42 : vector<1x16xi32> to vector<16xi32>
      %add3A_44 = arith.addi %mul3A_39, %get3A_43 : vector<16xi32>
      %swap3A_45 = arith.index_cast %scan3A_17 : i32 to index
      %swap3A_46 = arith.constant 16 : index
      %swap3A_47 = tpu.vector_load %arg10[%swap3A_45, %swap3A_46] {strides = array<i32>} : memref<40x128xi32, #tpu.memory_space<vmem>>, vector<1x16xi32>,
      %swap3A_48 = vector.shape_cast %swap3A_47 : vector<1x16xi32> to vector<16xi32>
      %swap3A_49 = vector.shape_cast %add3A_44 : vector<16xi32> to vector<1x16xi32>
      tpu.vector_store %arg10[%swap3A_45, %swap3A_46], %swap3A_49 {strides = array<i32>} : memref<40x128xi32, #tpu.memory_space<vmem>>, vector<1x16xi32>,
      %get3A_50 = arith.index_cast %scan3A_17 : i32 to index
      %get3A_51 = arith.constant 32 : index
      %get3A_52 = tpu.vector_load %arg10[%get3A_50, %get3A_51] {strides = array<i32>} : memref<40x128xi32, #tpu.memory_space<vmem>>, vector<1x16xi32>,
      %get3A_53 = vector.shape_cast %get3A_52 : vector<1x16xi32> to vector<16xi32>
      %mul3A_54 = arith.constant 50 : i32
      %mul3A_55 = vector.broadcast %mul3A_54 : i32 to vector<16xi32>
      %mul3A_56 = arith.muli %get3A_53, %mul3A_55 : vector<16xi32>
      %get3A_57 = arith.index_cast %scan3A_17 : i32 to index
      %get3A_58 = arith.constant 32 : index
      %get3A_59 = tpu.vector_load %arg9[%get3A_57, %get3A_58] {strides = array<i32>} : memref<40x128xi32, #tpu.memory_space<vmem>>, vector<1x16xi32>,
      %get3A_60 = vector.shape_cast %get3A_59 : vector<1x16xi32> to vector<16xi32>
      %add3A_61 = arith.addi %mul3A_56, %get3A_60 : vector<16xi32>
      %swap3A_62 = arith.index_cast %scan3A_17 : i32 to index
      %swap3A_63 = arith.constant 32 : index
      %swap3A_64 = tpu.vector_load %arg10[%swap3A_62, %swap3A_63] {strides = array<i32>} : memref<40x128xi32, #tpu.memory_space<vmem>>, vector<1x16xi32>,
      %swap3A_65 = vector.shape_cast %swap3A_64 : vector<1x16xi32> to vector<16xi32>
      %swap3A_66 = vector.shape_cast %add3A_61 : vector<16xi32> to vector<1x16xi32>
      tpu.vector_store %arg10[%swap3A_62, %swap3A_63], %swap3A_66 {strides = array<i32>} : memref<40x128xi32, #tpu.memory_space<vmem>>, vector<1x16xi32>,
      %get3A_67 = arith.index_cast %scan3A_17 : i32 to index
      %get3A_68 = arith.constant 48 : index
      %get3A_69 = tpu.vector_load %arg10[%get3A_67, %get3A_68] {strides = array<i32>} : memref<40x128xi32, #tpu.memory_space<vmem>>, vector<1x16xi32>,
      %get3A_70 = vector.shape_cast %get3A_69 : vector<1x16xi32> to vector<16xi32>
      %mul3A_71 = arith.constant 50 : i32
      %mul3A_72 = vector.broadcast %mul3A_71 : i32 to vector<16xi32>
      %mul3A_73 = arith.muli %get3A_70, %mul3A_72 : vector<16xi32>
      %get3A_74 = arith.index_cast %scan3A_17 : i32 to index
      %get3A_75 = arith.constant 48 : index
      %get3A_76 = tpu.vector_load %arg9[%get3A_74, %get3A_75] {strides = array<i32>} : memref<40x128xi32, #tpu.memory_space<vmem>>, vector<1x16xi32>,
      %get3A_77 = vector.shape_cast %get3A_76 : vector<1x16xi32> to vector<16xi32>
      %add3A_78 = arith.addi %mul3A_73, %get3A_77 : vector<16xi32>
      %swap3A_79 = arith.index_cast %scan3A_17 : i32 to index
      %swap3A_80 = arith.constant 48 : index
      %swap3A_81 = tpu.vector_load %arg10[%swap3A_79, %swap3A_80] {strides = array<i32>} : memref<40x128xi32, #tpu.memory_space<vmem>>, vector<1x16xi32>,
      %swap3A_82 = vector.shape_cast %swap3A_81 : vector<1x16xi32> to vector<16xi32>
      %swap3A_83 = vector.shape_cast %add3A_78 : vector<16xi32> to vector<1x16xi32>
      tpu.vector_store %arg10[%swap3A_79, %swap3A_80], %swap3A_83 {strides = array<i32>} : memref<40x128xi32, #tpu.memory_space<vmem>>, vector<1x16xi32>,
      %get3A_84 = arith.index_cast %scan3A_17 : i32 to index
      %get3A_85 = arith.constant 64 : index
      %get3A_86 = tpu.vector_load %arg10[%get3A_84, %get3A_85] {strides = array<i32>} : memref<40x128xi32, #tpu.memory_space<vmem>>, vector<1x16xi32>,
      %get3A_87 = vector.shape_cast %get3A_86 : vector<1x16xi32> to vector<16xi32>
      %mul3A_88 = arith.constant 50 : i32
      %mul3A_89 = vector.broadcast %mul3A_88 : i32 to vector<16xi32>
      %mul3A_90 = arith.muli %get3A_87, %mul3A_89 : vector<16xi32>
      %get3A_91 = arith.index_cast %scan3A_17 : i32 to index
      %get3A_92 = arith.constant 64 : index
      %get3A_93 = tpu.vector_load %arg9[%get3A_91, %get3A_92] {strides = array<i32>} : memref<40x128xi32, #tpu.memory_space<vmem>>, vector<1x16xi32>,
      %get3A_94 = vector.shape_cast %get3A_93 : vector<1x16xi32> to vector<16xi32>
      %add3A_95 = arith.addi %mul3A_90, %get3A_94 : vector<16xi32>
      %swap3A_96 = arith.index_cast %scan3A_17 : i32 to index
      %swap3A_97 = arith.constant 64 : index
      %swap3A_98 = tpu.vector_load %arg10[%swap3A_96, %swap3A_97] {strides = array<i32>} : memref<40x128xi32, #tpu.memory_space<vmem>>, vector<1x16xi32>,
      %swap3A_99 = vector.shape_cast %swap3A_98 : vector<1x16xi32> to vector<16xi32>
      %swap3A_100 = vector.shape_cast %add3A_95 : vector<16xi32> to vector<1x16xi32>
      tpu.vector_store %arg10[%swap3A_96, %swap3A_97], %swap3A_100 {strides = array<i32>} : memref<40x128xi32, #tpu.memory_space<vmem>>, vector<1x16xi32>,
      %get3A_101 = arith.index_cast %scan3A_17 : i32 to index
      %get3A_102 = arith.constant 80 : index
      %get3A_103 = tpu.vector_load %arg10[%get3A_101, %get3A_102] {strides = array<i32>} : memref<40x128xi32, #tpu.memory_space<vmem>>, vector<1x16xi32>,
      %get3A_104 = vector.shape_cast %get3A_103 : vector<1x16xi32> to vector<16xi32>
      %mul3A_105 = arith.constant 50 : i32
      %mul3A_106 = vector.broadcast %mul3A_105 : i32 to vector<16xi32>
      %mul3A_107 = arith.muli %get3A_104, %mul3A_106 : vector<16xi32>
      %get3A_108 = arith.index_cast %scan3A_17 : i32 to index
      %get3A_109 = arith.constant 80 : index
      %get3A_110 = tpu.vector_load %arg9[%get3A_108, %get3A_109] {strides = array<i32>} : memref<40x128xi32, #tpu.memory_space<vmem>>, vector<1x16xi32>,
      %get3A_111 = vector.shape_cast %get3A_110 : vector<1x16xi32> to vector<16xi32>
      %add3A_112 = arith.addi %mul3A_107, %get3A_111 : vector<16xi32>
      %swap3A_113 = arith.index_cast %scan3A_17 : i32 to index
      %swap3A_114 = arith.constant 80 : index
      %swap3A_115 = tpu.vector_load %arg10[%swap3A_113, %swap3A_114] {strides = array<i32>} : memref<40x128xi32, #tpu.memory_space<vmem>>, vector<1x16xi32>,
      %swap3A_116 = vector.shape_cast %swap3A_115 : vector<1x16xi32> to vector<16xi32>
      %swap3A_117 = vector.shape_cast %add3A_112 : vector<16xi32> to vector<1x16xi32>
      tpu.vector_store %arg10[%swap3A_113, %swap3A_114], %swap3A_117 {strides = array<i32>} : memref<40x128xi32, #tpu.memory_space<vmem>>, vector<1x16xi32>,
      %get3A_118 = arith.index_cast %scan3A_17 : i32 to index
      %get3A_119 = arith.constant 96 : index
      %get3A_120 = tpu.vector_load %arg10[%get3A_118, %get3A_119] {strides = array<i32>} : memref<40x128xi32, #tpu.memory_space<vmem>>, vector<1x16xi32>,
      %get3A_121 = vector.shape_cast %get3A_120 : vector<1x16xi32> to vector<16xi32>
      %mul3A_122 = arith.constant 50 : i32
      %mul3A_123 = vector.broadcast %mul3A_122 : i32 to vector<16xi32>
      %mul3A_124 = arith.muli %get3A_121, %mul3A_123 : vector<16xi32>
      %get3A_125 = arith.index_cast %scan3A_17 : i32 to index
      %get3A_126 = arith.constant 96 : index
      %get3A_127 = tpu.vector_load %arg9[%get3A_125, %get3A_126] {strides = array<i32>} : memref<40x128xi32, #tpu.memory_space<vmem>>, vector<1x16xi32>,
      %get3A_128 = vector.shape_cast %get3A_127 : vector<1x16xi32> to vector<16xi32>
      %add3A_129 = arith.addi %mul3A_124, %get3A_128 : vector<16xi32>
      %swap3A_130 = arith.index_cast %scan3A_17 : i32 to index
      %swap3A_131 = arith.constant 96 : index
      %swap3A_132 = tpu.vector_load %arg10[%swap3A_130, %swap3A_131] {strides = array<i32>} : memref<40x128xi32, #tpu.memory_space<vmem>>, vector<1x16xi32>,
      %swap3A_133 = vector.shape_cast %swap3A_132 : vector<1x16xi32> to vector<16xi32>
      %swap3A_134 = vector.shape_cast %add3A_129 : vector<16xi32> to vector<1x16xi32>
      tpu.vector_store %arg10[%swap3A_130, %swap3A_131], %swap3A_134 {strides = array<i32>} : memref<40x128xi32, #tpu.memory_space<vmem>>, vector<1x16xi32>,
      %get3A_135 = arith.index_cast %scan3A_17 : i32 to index
      %get3A_136 = arith.constant 112 : index
      %get3A_137 = tpu.vector_load %arg10[%get3A_135, %get3A_136] {strides = array<i32>} : memref<40x128xi32, #tpu.memory_space<vmem>>, vector<1x16xi32>,
      %get3A_138 = vector.shape_cast %get3A_137 : vector<1x16xi32> to vector<16xi32>
      %mul3A_139 = arith.constant 50 : i32
      %mul3A_140 = vector.broadcast %mul3A_139 : i32 to vector<16xi32>
      %mul3A_141 = arith.muli %get3A_138, %mul3A_140 : vector<16xi32>
      %get3A_142 = arith.index_cast %scan3A_17 : i32 to index
      %get3A_143 = arith.constant 112 : index
      %get3A_144 = tpu.vector_load %arg9[%get3A_142, %get3A_143] {strides = array<i32>} : memref<40x128xi32, #tpu.memory_space<vmem>>, vector<1x16xi32>,
      %get3A_145 = vector.shape_cast %get3A_144 : vector<1x16xi32> to vector<16xi32>
      %add3A_146 = arith.addi %mul3A_141, %get3A_145 : vector<16xi32>
      %swap3A_147 = arith.index_cast %scan3A_17 : i32 to index
      %swap3A_148 = arith.constant 112 : index
      %swap3A_149 = tpu.vector_load %arg10[%swap3A_147, %swap3A_148] {strides = array<i32>} : memref<40x128xi32, #tpu.memory_space<vmem>>, vector<1x16xi32>,
      %swap3A_150 = vector.shape_cast %swap3A_149 : vector<1x16xi32> to vector<16xi32>
      %swap3A_151 = vector.shape_cast %add3A_146 : vector<16xi32> to vector<1x16xi32>
      tpu.vector_store %arg10[%swap3A_147, %swap3A_148], %swap3A_151 {strides = array<i32>} : memref<40x128xi32, #tpu.memory_space<vmem>>, vector<1x16xi32>,
    }
    %scan3A_9 = arith.constant 40 : i32
    %barrier3A = arith.constant 0 : index
    tpu.barrier barrier_id(%barrier3A)
    %scan3A_10 = arith.constant 0 : i32
    %scan3A_11 = arith.constant 0 : i32
    %scan3A_12 = arith.constant 40 : i32
    %scan3A_13 = arith.addi %scan3A_11, %scan3A_12 : i32
    %scan3A_14 = arith.constant 1 : i32
    scf.for %scan3A_17 = %scan3A_11 to %scan3A_13 step %scan3A_14  : i32 {
      %dma_start3A = arith.constant 0 : i32
      %dma_start3A_18 = tpu.memref_slice %arg10[%scan3A_17, %dma_start3A] : memref<40x128xi32, #tpu.memory_space<vmem>> -> memref<1x128xi32, #tpu.memory_space<vmem>>
      %dma_start3A_19 = tpu.memref_squeeze %dma_start3A_18 : memref<1x128xi32, #tpu.memory_space<vmem>> -> memref<128xi32, #tpu.memory_space<vmem>>
      %dma_start3A_20 = arith.constant 0 : i32
      %dma_start3A_21 = arith.constant 0 : i32
      %dma_start3A_22 = tpu.memref_slice %arg2[%dma_start3A_20, %dma_start3A_21] : memref<500000x128xf32, #tpu.memory_space<hbm>> -> memref<500000x128xf32, #tpu.memory_space<hbm>>
      tpu.enqueue_indirect_dma source(%dma_start3A_22 : memref<500000x128xf32, #tpu.memory_space<hbm>>) target(%arg11 : memref<128x128xf32, #tpu.memory_space<vmem>>) offsets(%dma_start3A_19 : memref<128xi32, #tpu.memory_space<vmem>>) semaphore(%arg13 : memref<!tpu.dma_semaphore, #tpu.memory_space<semaphore_mem>>)
      %dma_wait3A = arith.constant 0 : i32
      %dma_wait3A_23 = tpu.memref_slice %arg10[%scan3A_17, %dma_wait3A] : memref<40x128xi32, #tpu.memory_space<vmem>> -> memref<1x128xi32, #tpu.memory_space<vmem>>
      %dma_wait3A_24 = tpu.memref_squeeze %dma_wait3A_23 : memref<1x128xi32, #tpu.memory_space<vmem>> -> memref<128xi32, #tpu.memory_space<vmem>>
      %dma_wait3A_25 = arith.constant 0 : i32
      %dma_wait3A_26 = arith.constant 0 : i32
      %dma_wait3A_27 = tpu.memref_slice %arg2[%dma_wait3A_25, %dma_wait3A_26] : memref<500000x128xf32, #tpu.memory_space<hbm>> -> memref<500000x128xf32, #tpu.memory_space<hbm>>
      tpu.wait_indirect_dma semaphore(%arg13 : memref<!tpu.dma_semaphore, #tpu.memory_space<semaphore_mem>>) src(%dma_wait3A_27 : memref<500000x128xf32, #tpu.memory_space<hbm>>) dst(%arg11 : memref<128x128xf32, #tpu.memory_space<vmem>>)
      "tpu.region"() ({
        %run_scoped3A = tpu.sem_alloc : memref<!tpu.dma_semaphore, #tpu.memory_space<semaphore_mem>>
        %dma_start3A_28 = arith.constant 0 : i32
        %dma_start3A_29 = tpu.memref_slice %arg8[%scan3A_17, %dma_start3A_28] : memref<40x128xi32, #tpu.memory_space<vmem>> -> memref<1x128xi32, #tpu.memory_space<vmem>>
        %dma_start3A_30 = tpu.memref_squeeze %dma_start3A_29 : memref<1x128xi32, #tpu.memory_space<vmem>> -> memref<128xi32, #tpu.memory_space<vmem>>
        %dma_start3A_31 = arith.constant 0 : i32
        %dma_start3A_32 = arith.constant 0 : i32
        %dma_start3A_33 = tpu.memref_slice %arg12[%dma_start3A_31, %dma_start3A_32] : memref<10240x128xf32, #tpu.memory_space<vmem_shared>> -> memref<10240x128xf32, #tpu.memory_space<vmem_shared>>
        tpu.enqueue_indirect_dma source(%arg11 : memref<128x128xf32, #tpu.memory_space<vmem>>) target(%dma_start3A_33 : memref<10240x128xf32, #tpu.memory_space<vmem_shared>>) offsets(%dma_start3A_30 : memref<128xi32, #tpu.memory_space<vmem>>) semaphore(%run_scoped3A : memref<!tpu.dma_semaphore, #tpu.memory_space<semaphore_mem>>) {add = true}
        %dma_wait3A_34 = arith.constant 0 : i32
        %dma_wait3A_35 = tpu.memref_slice %arg8[%scan3A_17, %dma_wait3A_34] : memref<40x128xi32, #tpu.memory_space<vmem>> -> memref<1x128xi32, #tpu.memory_space<vmem>>
        %dma_wait3A_36 = tpu.memref_squeeze %dma_wait3A_35 : memref<1x128xi32, #tpu.memory_space<vmem>> -> memref<128xi32, #tpu.memory_space<vmem>>
        %dma_wait3A_37 = arith.constant 0 : i32
        %dma_wait3A_38 = arith.constant 0 : i32
        %dma_wait3A_39 = tpu.memref_slice %arg12[%dma_wait3A_37, %dma_wait3A_38] : memref<10240x128xf32, #tpu.memory_space<vmem_shared>> -> memref<10240x128xf32, #tpu.memory_space<vmem_shared>>
        tpu.wait_indirect_dma semaphore(%run_scoped3A : memref<!tpu.dma_semaphore, #tpu.memory_space<semaphore_mem>>) src(%arg11 : memref<128x128xf32, #tpu.memory_space<vmem>>) dst(%dma_wait3A_39 : memref<10240x128xf32, #tpu.memory_space<vmem_shared>>)
        tpu.yield
      }) : () -> ()
    }
    %scan3A_15 = arith.constant 40 : i32
    %barrier3A_16 = arith.constant 0 : index
    tpu.barrier barrier_id(%barrier3A_16)
    "tpu.region"() ({
      %run_scoped3A = tpu.sem_alloc : memref<!tpu.dma_semaphore, #tpu.memory_space<semaphore_mem>>
      %dma_start3A = arith.constant 0 : i32
      %dma_start3A_17 = tpu.memref_slice %arg7[%arg0, %mul3A_2, %dma_start3A] : memref<2x10240x128xf32, #tpu.memory_space<hbm>> -> memref<1x640x128xf32, #tpu.memory_space<hbm>>
      %dma_start3A_18 = tpu.memref_squeeze %dma_start3A_17 : memref<1x640x128xf32, #tpu.memory_space<hbm>> -> memref<640x128xf32, #tpu.memory_space<hbm>>
      %dma_start3A_19 = arith.constant 0 : i32
      %dma_start3A_20 = tpu.memref_slice %arg12[%mul3A_2, %dma_start3A_19] : memref<10240x128xf32, #tpu.memory_space<vmem_shared>> -> memref<640x128xf32, #tpu.memory_space<vmem_shared>>
      tpu.enqueue_dma source(%dma_start3A_20 : memref<640x128xf32, #tpu.memory_space<vmem_shared>>) target(%dma_start3A_18 : memref<640x128xf32, #tpu.memory_space<hbm>>) target_semaphore(%run_scoped3A : memref<!tpu.dma_semaphore, #tpu.memory_space<semaphore_mem>>)
      %dma_wait3A = arith.constant 0 : i32
      %dma_wait3A_21 = tpu.memref_slice %arg7[%arg0, %mul3A_2, %dma_wait3A] : memref<2x10240x128xf32, #tpu.memory_space<hbm>> -> memref<1x640x128xf32, #tpu.memory_space<hbm>>
      %dma_wait3A_22 = tpu.memref_squeeze %dma_wait3A_21 : memref<1x640x128xf32, #tpu.memory_space<hbm>> -> memref<640x128xf32, #tpu.memory_space<hbm>>
      %dma_wait3A_23 = arith.constant 0 : i32
      %dma_wait3A_24 = tpu.memref_slice %arg12[%mul3A_2, %dma_wait3A_23] : memref<10240x128xf32, #tpu.memory_space<vmem_shared>> -> memref<640x128xf32, #tpu.memory_space<vmem_shared>>
      tpu.wait_dma2 semaphore(%run_scoped3A : memref<!tpu.dma_semaphore, #tpu.memory_space<semaphore_mem>>) src(%dma_wait3A_24 : memref<640x128xf32, #tpu.memory_space<vmem_shared>>) dst(%dma_wait3A_22 : memref<640x128xf32, #tpu.memory_space<hbm>>)
      tpu.yield
    }) : () -> ()
    return
  }
}

module attributes {stable_mosaic.version = 14 : i64} {
  func.func @_hr_body(%arg0: i32, %arg1: i32, %arg2: memref<50x8xf32, #tpu.memory_space<smem>>, %arg3: memref<8x128x128xf32, #tpu.memory_space<vmem>>, %arg4: memref<1000x128xf32, #tpu.memory_space<vmem>>, %arg5: memref<1000x128xf32, #tpu.memory_space<vmem>>, %arg6: memref<128x128xf32, #tpu.memory_space<vmem>>) attributes {dimension_semantics = [#tpu.dimension_semantics<arbitrary>, #tpu.dimension_semantics<arbitrary>], iteration_bounds = array<i64: 50, 10>, scalar_prefetch = 0 : i64, scratch_operands = 1 : i64, tpu.core_type = #tpu.core_type<tc>, window_params = [{transform_indices = @transform_0, window_bounds = array<i64: 50, 8>}, {pipeline_mode = #tpu.pipeline_mode<synchronous>, transform_indices = @transform_1, window_bounds = array<i64: 8, 128, 128>}, {transform_indices = @transform_2, window_bounds = array<i64: 1000, 128>}, {transform_indices = @transform_3, window_bounds = array<i64: 1000, 128>}]} {
    %eq3A = arith.constant 0 : i32
    %eq3A_0 = arith.cmpi eq, %arg1, %eq3A : i32
    %convert_element_type3A = arith.extui %eq3A_0 : i1 to i32
    %cond3A = arith.constant 0 : i32
    %cond3A_1 = arith.cmpi ne, %convert_element_type3A, %cond3A : i32
    scf.if %cond3A_1 {
      %get3A_10 = arith.index_cast %arg0 : i32 to index
      %get3A_11 = arith.constant 0 : index
      %get3A_12 = memref.load %arg2[%get3A_10, %get3A_11] : memref<50x8xf32, #tpu.memory_space<smem>>
      %get3A_13 = arith.constant 0 : index
      %get3A_14 = arith.constant 0 : index
      %get3A_15 = arith.constant 0 : index
      %get3A_16 = vector.load %arg3[%get3A_13, %get3A_14, %get3A_15] : memref<8x128x128xf32, #tpu.memory_space<vmem>>, vector<1x128x128xf32>
      %get3A_17 = vector.shape_cast %get3A_16 : vector<1x128x128xf32> to vector<128x128xf32>
      %mul3A = vector.broadcast %get3A_12 : f32 to vector<128x128xf32>
      %mul3A_18 = arith.mulf %mul3A, %get3A_17 : vector<128x128xf32>
      %get3A_19 = arith.index_cast %arg0 : i32 to index
      %get3A_20 = arith.constant 1 : index
      %get3A_21 = memref.load %arg2[%get3A_19, %get3A_20] : memref<50x8xf32, #tpu.memory_space<smem>>
      %get3A_22 = arith.constant 1 : index
      %get3A_23 = arith.constant 0 : index
      %get3A_24 = arith.constant 0 : index
      %get3A_25 = vector.load %arg3[%get3A_22, %get3A_23, %get3A_24] : memref<8x128x128xf32, #tpu.memory_space<vmem>>, vector<1x128x128xf32>
      %get3A_26 = vector.shape_cast %get3A_25 : vector<1x128x128xf32> to vector<128x128xf32>
      %mul3A_27 = vector.broadcast %get3A_21 : f32 to vector<128x128xf32>
      %mul3A_28 = arith.mulf %mul3A_27, %get3A_26 : vector<128x128xf32>
      %add3A = arith.addf %mul3A_18, %mul3A_28 : vector<128x128xf32>
      %get3A_29 = arith.index_cast %arg0 : i32 to index
      %get3A_30 = arith.constant 2 : index
      %get3A_31 = memref.load %arg2[%get3A_29, %get3A_30] : memref<50x8xf32, #tpu.memory_space<smem>>
      %get3A_32 = arith.constant 2 : index
      %get3A_33 = arith.constant 0 : index
      %get3A_34 = arith.constant 0 : index
      %get3A_35 = vector.load %arg3[%get3A_32, %get3A_33, %get3A_34] : memref<8x128x128xf32, #tpu.memory_space<vmem>>, vector<1x128x128xf32>
      %get3A_36 = vector.shape_cast %get3A_35 : vector<1x128x128xf32> to vector<128x128xf32>
      %mul3A_37 = vector.broadcast %get3A_31 : f32 to vector<128x128xf32>
      %mul3A_38 = arith.mulf %mul3A_37, %get3A_36 : vector<128x128xf32>
      %add3A_39 = arith.addf %add3A, %mul3A_38 : vector<128x128xf32>
      %get3A_40 = arith.index_cast %arg0 : i32 to index
      %get3A_41 = arith.constant 3 : index
      %get3A_42 = memref.load %arg2[%get3A_40, %get3A_41] : memref<50x8xf32, #tpu.memory_space<smem>>
      %get3A_43 = arith.constant 3 : index
      %get3A_44 = arith.constant 0 : index
      %get3A_45 = arith.constant 0 : index
      %get3A_46 = vector.load %arg3[%get3A_43, %get3A_44, %get3A_45] : memref<8x128x128xf32, #tpu.memory_space<vmem>>, vector<1x128x128xf32>
      %get3A_47 = vector.shape_cast %get3A_46 : vector<1x128x128xf32> to vector<128x128xf32>
      %mul3A_48 = vector.broadcast %get3A_42 : f32 to vector<128x128xf32>
      %mul3A_49 = arith.mulf %mul3A_48, %get3A_47 : vector<128x128xf32>
      %add3A_50 = arith.addf %add3A_39, %mul3A_49 : vector<128x128xf32>
      %get3A_51 = arith.index_cast %arg0 : i32 to index
      %get3A_52 = arith.constant 4 : index
      %get3A_53 = memref.load %arg2[%get3A_51, %get3A_52] : memref<50x8xf32, #tpu.memory_space<smem>>
      %get3A_54 = arith.constant 4 : index
      %get3A_55 = arith.constant 0 : index
      %get3A_56 = arith.constant 0 : index
      %get3A_57 = vector.load %arg3[%get3A_54, %get3A_55, %get3A_56] : memref<8x128x128xf32, #tpu.memory_space<vmem>>, vector<1x128x128xf32>
      %get3A_58 = vector.shape_cast %get3A_57 : vector<1x128x128xf32> to vector<128x128xf32>
      %mul3A_59 = vector.broadcast %get3A_53 : f32 to vector<128x128xf32>
      %mul3A_60 = arith.mulf %mul3A_59, %get3A_58 : vector<128x128xf32>
      %add3A_61 = arith.addf %add3A_50, %mul3A_60 : vector<128x128xf32>
      %get3A_62 = arith.index_cast %arg0 : i32 to index
      %get3A_63 = arith.constant 5 : index
      %get3A_64 = memref.load %arg2[%get3A_62, %get3A_63] : memref<50x8xf32, #tpu.memory_space<smem>>
      %get3A_65 = arith.constant 5 : index
      %get3A_66 = arith.constant 0 : index
      %get3A_67 = arith.constant 0 : index
      %get3A_68 = vector.load %arg3[%get3A_65, %get3A_66, %get3A_67] : memref<8x128x128xf32, #tpu.memory_space<vmem>>, vector<1x128x128xf32>
      %get3A_69 = vector.shape_cast %get3A_68 : vector<1x128x128xf32> to vector<128x128xf32>
      %mul3A_70 = vector.broadcast %get3A_64 : f32 to vector<128x128xf32>
      %mul3A_71 = arith.mulf %mul3A_70, %get3A_69 : vector<128x128xf32>
      %add3A_72 = arith.addf %add3A_61, %mul3A_71 : vector<128x128xf32>
      %get3A_73 = arith.index_cast %arg0 : i32 to index
      %get3A_74 = arith.constant 6 : index
      %get3A_75 = memref.load %arg2[%get3A_73, %get3A_74] : memref<50x8xf32, #tpu.memory_space<smem>>
      %get3A_76 = arith.constant 6 : index
      %get3A_77 = arith.constant 0 : index
      %get3A_78 = arith.constant 0 : index
      %get3A_79 = vector.load %arg3[%get3A_76, %get3A_77, %get3A_78] : memref<8x128x128xf32, #tpu.memory_space<vmem>>, vector<1x128x128xf32>
      %get3A_80 = vector.shape_cast %get3A_79 : vector<1x128x128xf32> to vector<128x128xf32>
      %mul3A_81 = vector.broadcast %get3A_75 : f32 to vector<128x128xf32>
      %mul3A_82 = arith.mulf %mul3A_81, %get3A_80 : vector<128x128xf32>
      %add3A_83 = arith.addf %add3A_72, %mul3A_82 : vector<128x128xf32>
      %get3A_84 = arith.index_cast %arg0 : i32 to index
      %get3A_85 = arith.constant 7 : index
      %get3A_86 = memref.load %arg2[%get3A_84, %get3A_85] : memref<50x8xf32, #tpu.memory_space<smem>>
      %get3A_87 = arith.constant 7 : index
      %get3A_88 = arith.constant 0 : index
      %get3A_89 = arith.constant 0 : index
      %get3A_90 = vector.load %arg3[%get3A_87, %get3A_88, %get3A_89] : memref<8x128x128xf32, #tpu.memory_space<vmem>>, vector<1x128x128xf32>
      %get3A_91 = vector.shape_cast %get3A_90 : vector<1x128x128xf32> to vector<128x128xf32>
      %mul3A_92 = vector.broadcast %get3A_86 : f32 to vector<128x128xf32>
      %mul3A_93 = arith.mulf %mul3A_92, %get3A_91 : vector<128x128xf32>
      %add3A_94 = arith.addf %add3A_83, %mul3A_93 : vector<128x128xf32>
      %swap3A_95 = arith.constant 0 : index
      %swap3A_96 = arith.constant 0 : index
      %swap3A_97 = vector.load %arg6[%swap3A_95, %swap3A_96] : memref<128x128xf32, #tpu.memory_space<vmem>>, vector<128x128xf32>
      tpu.vector_store %arg6[%swap3A_95, %swap3A_96], %add3A_94 {strides = array<i32>} : memref<128x128xf32, #tpu.memory_space<vmem>>, vector<128x128xf32>,
    } else {
    }
    %get3A = arith.constant 0 : index
    %get3A_2 = arith.constant 0 : index
    %get3A_3 = vector.load %arg4[%get3A, %get3A_2] : memref<1000x128xf32, #tpu.memory_space<vmem>>, vector<1000x128xf32>
    %get3A_4 = arith.constant 0 : index
    %get3A_5 = arith.constant 0 : index
    %get3A_6 = vector.load %arg6[%get3A_4, %get3A_5] : memref<128x128xf32, #tpu.memory_space<vmem>>, vector<128x128xf32>
    %dot_general3A = arith.constant dense<0.000000e+00> : vector<1000x128xf32>
    %dot_general3A_7 = tpu.matmul %get3A_3, %get3A_6, %dot_general3A {dimension_numbers = #tpu.dot_dimension_numbers<[1], [0], [0], [1], [0, 0, 1, 1], [], []>, transpose_lhs_hint = false} : vector<1000x128xf32>, vector<128x128xf32>, vector<1000x128xf32> -> vector<1000x128xf32>
    %swap3A = arith.constant 0 : index
    %swap3A_8 = arith.constant 0 : index
    %swap3A_9 = vector.load %arg5[%swap3A, %swap3A_8] : memref<1000x128xf32, #tpu.memory_space<vmem>>, vector<1000x128xf32>
    tpu.vector_store %arg5[%swap3A, %swap3A_8], %dot_general3A_7 {strides = array<i32>} : memref<1000x128xf32, #tpu.memory_space<vmem>>, vector<1000x128xf32>,
    return
  }
  func.func @transform_0(%arg0: i32, %arg1: i32) -> (i32, i32) {
    %c0_i32 = arith.constant 0 : i32
    %c0_i32_0 = arith.constant 0 : i32
    %c0_i32_1 = arith.constant 0 : i32
    return %c0_i32, %c0_i32_0 : i32, i32
  }
  func.func @transform_1(%arg0: i32, %arg1: i32) -> (i32, i32, i32) {
    %c0_i32 = arith.constant 0 : i32
    %c0_i32_0 = arith.constant 0 : i32
    %c0_i32_1 = arith.constant 0 : i32
    %c0_i32_2 = arith.constant 0 : i32
    return %c0_i32, %c0_i32_0, %c0_i32_1 : i32, i32, i32
  }
  func.func @transform_2(%arg0: i32, %arg1: i32) -> (i32, i32) {
    %c0_i32 = arith.constant 0 : i32
    %c0_i32_0 = arith.constant 0 : i32
    return %arg1, %c0_i32 : i32, i32
  }
  func.func @transform_3(%arg0: i32, %arg1: i32) -> (i32, i32) {
    %c0_i32 = arith.constant 0 : i32
    return %arg1, %arg0 : i32, i32
  }
}

module attributes {stable_mosaic.version = 14 : i64} {
  func.func @_comb_body(%arg0: i32, %arg1: memref<2x1000x128xf32, #tpu.memory_space<vmem>>, %arg2: memref<2x1000x128xf32, #tpu.memory_space<vmem>>, %arg3: memref<1000x128xf32, #tpu.memory_space<vmem>>, %arg4: memref<128x128xf32, #tpu.memory_space<vmem>>, %arg5: memref<1x128xf32, #tpu.memory_space<vmem>>, %arg6: memref<1000x128xf32, #tpu.memory_space<vmem>>) attributes {dimension_semantics = [#tpu.dimension_semantics<arbitrary>], iteration_bounds = array<i64: 10>, scalar_prefetch = 0 : i64, scratch_operands = 0 : i64, tpu.core_type = #tpu.core_type<tc>, window_params = [{transform_indices = @transform_0, window_bounds = array<i64: 2, 1000, 128>}, {transform_indices = @transform_1, window_bounds = array<i64: 2, 1000, 128>}, {transform_indices = @transform_2, window_bounds = array<i64: 1000, 128>}, {pipeline_mode = #tpu.pipeline_mode<synchronous>, transform_indices = @transform_3, window_bounds = array<i64: 128, 128>}, {pipeline_mode = #tpu.pipeline_mode<synchronous>, transform_indices = @transform_4, window_bounds = array<i64: 1, 128>}, {transform_indices = @transform_5, window_bounds = array<i64: 1000, 128>}]} {
    %get3A = arith.constant 0 : index
    %get3A_0 = arith.constant 0 : index
    %get3A_1 = arith.constant 0 : index
    %get3A_2 = vector.load %arg1[%get3A, %get3A_0, %get3A_1] : memref<2x1000x128xf32, #tpu.memory_space<vmem>>, vector<1x1000x128xf32>
    %get3A_3 = vector.shape_cast %get3A_2 : vector<1x1000x128xf32> to vector<1000x128xf32>
    %get3A_4 = arith.constant 1 : index
    %get3A_5 = arith.constant 0 : index
    %get3A_6 = arith.constant 0 : index
    %get3A_7 = vector.load %arg1[%get3A_4, %get3A_5, %get3A_6] : memref<2x1000x128xf32, #tpu.memory_space<vmem>>, vector<1x1000x128xf32>
    %get3A_8 = vector.shape_cast %get3A_7 : vector<1x1000x128xf32> to vector<1000x128xf32>
    %add3A = arith.addf %get3A_3, %get3A_8 : vector<1000x128xf32>
    %get3A_9 = arith.constant 0 : index
    %get3A_10 = arith.constant 0 : index
    %get3A_11 = arith.constant 0 : index
    %get3A_12 = vector.load %arg2[%get3A_9, %get3A_10, %get3A_11] : memref<2x1000x128xf32, #tpu.memory_space<vmem>>, vector<1x1000x128xf32>
    %get3A_13 = vector.shape_cast %get3A_12 : vector<1x1000x128xf32> to vector<1000x128xf32>
    %slice3A = vector.extract_strided_slice %get3A_13 {offsets = [0, 0], sizes = [1000, 1], strides = [1, 1]} : vector<1000x128xf32> to vector<1000x1xf32>
    %get3A_14 = arith.constant 1 : index
    %get3A_15 = arith.constant 0 : index
    %get3A_16 = arith.constant 0 : index
    %get3A_17 = vector.load %arg2[%get3A_14, %get3A_15, %get3A_16] : memref<2x1000x128xf32, #tpu.memory_space<vmem>>, vector<1x1000x128xf32>
    %get3A_18 = vector.shape_cast %get3A_17 : vector<1x1000x128xf32> to vector<1000x128xf32>
    %slice3A_19 = vector.extract_strided_slice %get3A_18 {offsets = [0, 0], sizes = [1000, 1], strides = [1, 1]} : vector<1000x128xf32> to vector<1000x1xf32>
    %add3A_20 = arith.addf %slice3A, %slice3A_19 : vector<1000x1xf32>
    %max3A = arith.constant 1.000000e+00 : f32
    %max3A_21 = vector.broadcast %max3A : f32 to vector<1000x1xf32>
    %max3A_22 = arith.maximumf %add3A_20, %max3A_21 : vector<1000x1xf32>
    %div3A = arith.constant 1.000000e+00 : f32
    %div3A_23 = vector.broadcast %div3A : f32 to vector<1000x1xf32>
    %div3A_24 = arith.divf %div3A_23, %max3A_22 : vector<1000x1xf32>
    %mul3A = vector.broadcast %div3A_24 : vector<1000x1xf32> to vector<1000x128xf32>
    %mul3A_25 = arith.mulf %add3A, %mul3A : vector<1000x128xf32>
    %get3A_26 = arith.constant 0 : index
    %get3A_27 = arith.constant 0 : index
    %get3A_28 = vector.load %arg3[%get3A_26, %get3A_27] : memref<1000x128xf32, #tpu.memory_space<vmem>>, vector<1000x128xf32>
    %get3A_29 = arith.constant 0 : index
    %get3A_30 = arith.constant 0 : index
    %get3A_31 = vector.load %arg4[%get3A_29, %get3A_30] : memref<128x128xf32, #tpu.memory_space<vmem>>, vector<128x128xf32>
    %dot_general3A = arith.constant dense<0.000000e+00> : vector<1000x128xf32>
    %dot_general3A_32 = tpu.matmul %get3A_28, %get3A_31, %dot_general3A {dimension_numbers = #tpu.dot_dimension_numbers<[1], [0], [0], [1], [0, 0, 1, 1], [], []>, transpose_lhs_hint = false} : vector<1000x128xf32>, vector<128x128xf32>, vector<1000x128xf32> -> vector<1000x128xf32>
    %add3A_33 = arith.addf %mul3A_25, %dot_general3A_32 : vector<1000x128xf32>
    %get3A_34 = arith.constant 0 : index
    %get3A_35 = arith.constant 0 : index
    %get3A_36 = vector.load %arg5[%get3A_34, %get3A_35] : memref<1x128xf32, #tpu.memory_space<vmem>>, vector<1x128xf32>
    %add3A_37 = vector.broadcast %get3A_36 : vector<1x128xf32> to vector<1000x128xf32>
    %add3A_38 = arith.addf %add3A_33, %add3A_37 : vector<1000x128xf32>
    %max3A_39 = arith.constant 0.000000e+00 : f32
    %max3A_40 = vector.broadcast %max3A_39 : f32 to vector<1000x128xf32>
    %max3A_41 = arith.maximumf %add3A_38, %max3A_40 : vector<1000x128xf32>
    %swap3A = arith.constant 0 : index
    %swap3A_42 = arith.constant 0 : index
    %swap3A_43 = vector.load %arg6[%swap3A, %swap3A_42] : memref<1000x128xf32, #tpu.memory_space<vmem>>, vector<1000x128xf32>
    tpu.vector_store %arg6[%swap3A, %swap3A_42], %max3A_41 {strides = array<i32>} : memref<1000x128xf32, #tpu.memory_space<vmem>>, vector<1000x128xf32>,
    return
  }
  func.func @transform_0(%arg0: i32) -> (i32, i32, i32) {
    %c0_i32 = arith.constant 0 : i32
    %c0_i32_0 = arith.constant 0 : i32
    %c0_i32_1 = arith.constant 0 : i32
    return %c0_i32, %arg0, %c0_i32_0 : i32, i32, i32
  }
  func.func @transform_1(%arg0: i32) -> (i32, i32, i32) {
    %c0_i32 = arith.constant 0 : i32
    %c0_i32_0 = arith.constant 0 : i32
    %c0_i32_1 = arith.constant 0 : i32
    return %c0_i32, %arg0, %c0_i32_0 : i32, i32, i32
  }
  func.func @transform_2(%arg0: i32) -> (i32, i32) {
    %c0_i32 = arith.constant 0 : i32
    %c0_i32_0 = arith.constant 0 : i32
    return %arg0, %c0_i32 : i32, i32
  }
  func.func @transform_3(%arg0: i32) -> (i32, i32) {
    %c0_i32 = arith.constant 0 : i32
    %c0_i32_0 = arith.constant 0 : i32
    %c0_i32_1 = arith.constant 0 : i32
    return %c0_i32, %c0_i32_0 : i32, i32
  }
  func.func @transform_4(%arg0: i32) -> (i32, i32) {
    %c0_i32 = arith.constant 0 : i32
    %c0_i32_0 = arith.constant 0 : i32
    %c0_i32_1 = arith.constant 0 : i32
    return %c0_i32, %c0_i32_0 : i32, i32
  }
  func.func @transform_5(%arg0: i32) -> (i32, i32) {
    %c0_i32 = arith.constant 0 : i32
    %c0_i32_0 = arith.constant 0 : i32
    return %arg0, %c0_i32 : i32, i32
  }
}

module attributes {stable_mosaic.version = 14 : i64} {
  func.func @_comb_body(%arg0: i32, %arg1: memref<2x1000x128xf32, #tpu.memory_space<vmem>>, %arg2: memref<2x1000x128xf32, #tpu.memory_space<vmem>>, %arg3: memref<1000x128xf32, #tpu.memory_space<vmem>>, %arg4: memref<128x128xf32, #tpu.memory_space<vmem>>, %arg5: memref<1x128xf32, #tpu.memory_space<vmem>>, %arg6: memref<1000x128xf32, #tpu.memory_space<vmem>>) attributes {dimension_semantics = [#tpu.dimension_semantics<arbitrary>], iteration_bounds = array<i64: 10>, scalar_prefetch = 0 : i64, scratch_operands = 0 : i64, tpu.core_type = #tpu.core_type<tc>, window_params = [{transform_indices = @transform_0, window_bounds = array<i64: 2, 1000, 128>}, {transform_indices = @transform_1, window_bounds = array<i64: 2, 1000, 128>}, {transform_indices = @transform_2, window_bounds = array<i64: 1000, 128>}, {pipeline_mode = #tpu.pipeline_mode<synchronous>, transform_indices = @transform_3, window_bounds = array<i64: 128, 128>}, {pipeline_mode = #tpu.pipeline_mode<synchronous>, transform_indices = @transform_4, window_bounds = array<i64: 1, 128>}, {transform_indices = @transform_5, window_bounds = array<i64: 1000, 128>}]} {
    %get3A = arith.constant 0 : index
    %get3A_0 = arith.constant 0 : index
    %get3A_1 = arith.constant 0 : index
    %get3A_2 = vector.load %arg1[%get3A, %get3A_0, %get3A_1] : memref<2x1000x128xf32, #tpu.memory_space<vmem>>, vector<1x1000x128xf32>
    %get3A_3 = vector.shape_cast %get3A_2 : vector<1x1000x128xf32> to vector<1000x128xf32>
    %get3A_4 = arith.constant 1 : index
    %get3A_5 = arith.constant 0 : index
    %get3A_6 = arith.constant 0 : index
    %get3A_7 = vector.load %arg1[%get3A_4, %get3A_5, %get3A_6] : memref<2x1000x128xf32, #tpu.memory_space<vmem>>, vector<1x1000x128xf32>
    %get3A_8 = vector.shape_cast %get3A_7 : vector<1x1000x128xf32> to vector<1000x128xf32>
    %add3A = arith.addf %get3A_3, %get3A_8 : vector<1000x128xf32>
    %get3A_9 = arith.constant 0 : index
    %get3A_10 = arith.constant 0 : index
    %get3A_11 = arith.constant 0 : index
    %get3A_12 = vector.load %arg2[%get3A_9, %get3A_10, %get3A_11] : memref<2x1000x128xf32, #tpu.memory_space<vmem>>, vector<1x1000x128xf32>
    %get3A_13 = vector.shape_cast %get3A_12 : vector<1x1000x128xf32> to vector<1000x128xf32>
    %slice3A = vector.extract_strided_slice %get3A_13 {offsets = [0, 0], sizes = [1000, 1], strides = [1, 1]} : vector<1000x128xf32> to vector<1000x1xf32>
    %get3A_14 = arith.constant 1 : index
    %get3A_15 = arith.constant 0 : index
    %get3A_16 = arith.constant 0 : index
    %get3A_17 = vector.load %arg2[%get3A_14, %get3A_15, %get3A_16] : memref<2x1000x128xf32, #tpu.memory_space<vmem>>, vector<1x1000x128xf32>
    %get3A_18 = vector.shape_cast %get3A_17 : vector<1x1000x128xf32> to vector<1000x128xf32>
    %slice3A_19 = vector.extract_strided_slice %get3A_18 {offsets = [0, 0], sizes = [1000, 1], strides = [1, 1]} : vector<1000x128xf32> to vector<1000x1xf32>
    %add3A_20 = arith.addf %slice3A, %slice3A_19 : vector<1000x1xf32>
    %max3A = arith.constant 1.000000e+00 : f32
    %max3A_21 = vector.broadcast %max3A : f32 to vector<1000x1xf32>
    %max3A_22 = arith.maximumf %add3A_20, %max3A_21 : vector<1000x1xf32>
    %div3A = arith.constant 1.000000e+00 : f32
    %div3A_23 = vector.broadcast %div3A : f32 to vector<1000x1xf32>
    %div3A_24 = arith.divf %div3A_23, %max3A_22 : vector<1000x1xf32>
    %mul3A = vector.broadcast %div3A_24 : vector<1000x1xf32> to vector<1000x128xf32>
    %mul3A_25 = arith.mulf %add3A, %mul3A : vector<1000x128xf32>
    %get3A_26 = arith.constant 0 : index
    %get3A_27 = arith.constant 0 : index
    %get3A_28 = vector.load %arg3[%get3A_26, %get3A_27] : memref<1000x128xf32, #tpu.memory_space<vmem>>, vector<1000x128xf32>
    %get3A_29 = arith.constant 0 : index
    %get3A_30 = arith.constant 0 : index
    %get3A_31 = vector.load %arg4[%get3A_29, %get3A_30] : memref<128x128xf32, #tpu.memory_space<vmem>>, vector<128x128xf32>
    %dot_general3A = arith.constant dense<0.000000e+00> : vector<1000x128xf32>
    %dot_general3A_32 = tpu.matmul %get3A_28, %get3A_31, %dot_general3A {dimension_numbers = #tpu.dot_dimension_numbers<[1], [0], [0], [1], [0, 0, 1, 1], [], []>, transpose_lhs_hint = false} : vector<1000x128xf32>, vector<128x128xf32>, vector<1000x128xf32> -> vector<1000x128xf32>
    %add3A_33 = arith.addf %mul3A_25, %dot_general3A_32 : vector<1000x128xf32>
    %get3A_34 = arith.constant 0 : index
    %get3A_35 = arith.constant 0 : index
    %get3A_36 = vector.load %arg5[%get3A_34, %get3A_35] : memref<1x128xf32, #tpu.memory_space<vmem>>, vector<1x128xf32>
    %add3A_37 = vector.broadcast %get3A_36 : vector<1x128xf32> to vector<1000x128xf32>
    %add3A_38 = arith.addf %add3A_33, %add3A_37 : vector<1000x128xf32>
    %swap3A = arith.constant 0 : index
    %swap3A_39 = arith.constant 0 : index
    %swap3A_40 = vector.load %arg6[%swap3A, %swap3A_39] : memref<1000x128xf32, #tpu.memory_space<vmem>>, vector<1000x128xf32>
    tpu.vector_store %arg6[%swap3A, %swap3A_39], %add3A_38 {strides = array<i32>} : memref<1000x128xf32, #tpu.memory_space<vmem>>, vector<1000x128xf32>,
    return
  }
  func.func @transform_0(%arg0: i32) -> (i32, i32, i32) {
    %c0_i32 = arith.constant 0 : i32
    %c0_i32_0 = arith.constant 0 : i32
    %c0_i32_1 = arith.constant 0 : i32
    return %c0_i32, %arg0, %c0_i32_0 : i32, i32, i32
  }
  func.func @transform_1(%arg0: i32) -> (i32, i32, i32) {
    %c0_i32 = arith.constant 0 : i32
    %c0_i32_0 = arith.constant 0 : i32
    %c0_i32_1 = arith.constant 0 : i32
    return %c0_i32, %arg0, %c0_i32_0 : i32, i32, i32
  }
  func.func @transform_2(%arg0: i32) -> (i32, i32) {
    %c0_i32 = arith.constant 0 : i32
    %c0_i32_0 = arith.constant 0 : i32
    return %arg0, %c0_i32 : i32, i32
  }
  func.func @transform_3(%arg0: i32) -> (i32, i32) {
    %c0_i32 = arith.constant 0 : i32
    %c0_i32_0 = arith.constant 0 : i32
    %c0_i32_1 = arith.constant 0 : i32
    return %c0_i32, %c0_i32_0 : i32, i32
  }
  func.func @transform_4(%arg0: i32) -> (i32, i32) {
    %c0_i32 = arith.constant 0 : i32
    %c0_i32_0 = arith.constant 0 : i32
    %c0_i32_1 = arith.constant 0 : i32
    return %c0_i32, %c0_i32_0 : i32, i32
  }
  func.func @transform_5(%arg0: i32) -> (i32, i32) {
    %c0_i32 = arith.constant 0 : i32
    %c0_i32_0 = arith.constant 0 : i32
    return %arg0, %c0_i32 : i32, i32
  }
}

</mosaic_0001>

<sc_bundles>
// kernel: kernel.12.cloned.1.call-start
scs
__scs_entry_jumppad:
0x0: {  	(pc) =	sbr.rel $0x88, $3  }
0x1: {  	(tag) =	ssettag $0x0;
	lr =	simm.s32 $0x1  }
0x2: {  	[smem:$0x3F96] =	sst lr;
	_ =	strace $0xD0000000  }
0x3: {  	_ = 	snop  }
0x4: {  	_ = 	snop  }
0x5: {  	_ = 	snop  }
0x6: {  	_ = 	snop  }
0x7: {  	_ = 	snop  }
__scs_overlays_trampoline_lowered:
0x8: {  	[smem:$0x3FA5] =	sst s0  }
0x9: {  	[smem:$0x3FA6] =	sst s1  }
0xa: {  	[smem:$0x3FA7] =	sst s2  }
0xb: {  	[smem:$0x3FA8] =	sst s3  }
0xc: {  	[smem:$0x3FA9] =	sst s4  }
0xd: {  	[smem:$0x3FAA] =	sst s5  }
0xe: {  	[smem:$0x3FAB] =	sst s6  }
0xf: {  	[smem:$0x3FAC] =	sst s7  }
0x10: {  	[smem:$0x3FAD] =	sst s8  }
0x11: {  	[smem:$0x3FAE] =	sst s9;
	s0 =	simm.s32 @!p0 $0x0  }
0x12: {  	s1 =	sld [smem:$0x3F94];
	s0 =	simm.s32 @p0 $0x1  }
0x13: {  	[smem:$0x3FAF] =	sst s0;
	s0 =	simm.s32 @!p1 $0x0  }
0x14: {  	s2 =	sld [smem:$0x3F93];
	s0 =	simm.s32 @p1 $0x1  }
0x15: {  	[smem:$0x3FB0] =	sst s0;
	s0 =	simm.s32 @!p2 $0x0  }
0x16: {  	s3 =	sld [smem:$0x3FDB];
	s0 =	simm.s32 @p2 $0x1  }
0x17: {  	s4 =	simm.s32 $0x1BF5;
	[smem:$0x3FB2] =	sst s0  }
0x18: {  	s0 =	sld [smem:$0x3F95];
	_ =	swait.ge [sflag:s4], $0x0  }
0x19: {  	s7 =	sld [smem:$0x3F96]  }
0x1a: {  	s8 =	sadd.s32 $0xFFFFE003, lr  }
0x1b: {  	s9 =	sadd.s32 $0xFFFFFEF7, lr;
	s5 =	simm.s32 $0xFFFFFFFF;
	p2 =	slt.u32 s8, $0xFFFFF086  }
0x1c: {  	p1 =	slt.u32 s9, $0xF7A;
	s5 =	simm.s32 @!p2 $0x0  }
0x1d: {  	s5 =	simm.s32 @p1 $0x1;
	p0 =	seq.s32 s7, s2  }
0x1e: {  	s7 =	smul.u32 @!p0 $0xF7A, s2;
	p2 =	seq.s32 @!p0 s5, $0x0  }
0x1f: {  	s9 =	smul.u32 $0xF7A, s1;
	s8 =	simm.s32 @!p0 $0x1BF5;
	p2 =	por !p2, p0  }
0x20: {  	[sflag:s8] =	ssyncset.s32 @!p0 $0xFFFFF086;
	s6 =	sadd.s32 @!p0 s3, s7;
	s7 =	simm.s32 @!p0 $0x108  }
0x21: {  	s3 =	sadd.s32 s3, s9;
	s6 =	sadd.s32 @!p0 $0x88, s6;
	s7 =	simm.s32 @p2 $0x1082  }
0x22: {  	[simem:s7], [sflag:s8] =	dma.local @!p0 [hbm:s6], $0xF7A  }
0x23: {  	s9 =	sor.u32 $0xD0000000, s2;
	s6 =	simm.s32 $0x108;
	_ =	swait.ge @!p0 [sflag:s8], $0x0  }
0x24: {  	s3 =	sadd.s32 $0x88, s3;
	s6 =	simm.s32 @!p1 $0x1082;
	[sflag:s4] =	ssyncset.s32 $0xFFFFF086  }
0x25: {  	[simem:s6], [sflag:s4] =	dma.local [hbm:s3], $0xF7A  }
0x26: {  	[smem:$0x3F96] =	sst s1;
	(tag) =	ssettag s2;
	_ =	strace s9  }
0x27: {  	s1 =	sld [smem:$0x3FA6]  }
0x28: {  	s2 =	sld [smem:$0x3FA7]  }
0x29: {  	s4 =	sld [smem:$0x3FA9]  }
0x2a: {  	p0 =	seq.s32 s5, $0x0;
	s5 =	sld [smem:$0x3FAA]  }
0x2b: {  	s6 =	sld [smem:$0x3FAB]  }
0x2c: {  	s7 =	sld [smem:$0x3FAC]  }
0x2d: {  	s3 =	simm.s32 $0x108;
	s8 =	sld [smem:$0x3FAD]  }
0x2e: {  	s3 =	simm.s32 @!p0 $0x1082;
	s9 =	sld [smem:$0x3FAE]  }
0x2f: {  	lr =	sadd.s32 s0, s3;
	s0 =	sld [smem:$0x3FA5]  }
0x30: {  	s3 =	sld [smem:$0x3FA8]  }
0x31: {  	[smem:$0x3FB1] =	sst s10  }
0x32: {  	s10 =	sld [smem:$0x3FAF];
	_ =	sdelay $0x3  }
0x33: {  	p0 =	seq.s32 s10, $0x1;
	s10 =	sld [smem:$0x3FB1];
	_ =	sdelay $0x3  }
0x34: {  	[smem:$0x3FB1] =	sst s10  }
0x35: {  	s10 =	sld [smem:$0x3FB0];
	_ =	sdelay $0x3  }
0x36: {  	p1 =	seq.s32 s10, $0x1;
	s10 =	sld [smem:$0x3FB1];
	_ =	sdelay $0x3  }
0x37: {  	[smem:$0x3FB1] =	sst s10  }
0x38: {  	s10 =	sld [smem:$0x3FB2]  }
0x39: {  	_ = 	snop;
	(pc) =	sbr.ind lr, $3  }
0x3a: {  	_ = 	snop  }
0x3b: {  	_ = 	snop  }
0x3c: {  	p2 =	seq.s32 s10, $0x1;
	s10 =	sld [smem:$0x3FB1]  }
0x3d: {  	_ =	shalt  }
0x3e: {  	_ =	shalt  }
0x3f: {  	_ =	shalt  }
0x40: {  	_ =	shalt  }
0x41: {  	_ =	shalt  }
0x42: {  	_ =	shalt  }
0x43: {  	_ =	shalt  }
0x44: {  	_ =	shalt  }
0x45: {  	_ =	shalt  }
0x46: {  	_ =	shalt  }
0x47: {  	_ =	shalt  }
0x48: {  	_ =	shalt  }
0x49: {  	_ =	shalt  }
0x4a: {  	_ =	shalt  }
0x4b: {  	_ =	shalt  }
0x4c: {  	_ =	shalt  }
0x4d: {  	_ =	shalt  }
0x4e: {  	_ =	shalt  }
0x4f: {  	_ =	shalt  }
0x50: {  	_ =	shalt  }
0x51: {  	_ =	shalt  }
0x52: {  	_ =	shalt  }
0x53: {  	_ =	shalt  }
0x54: {  	_ =	shalt  }
0x55: {  	_ =	shalt  }
0x56: {  	_ =	shalt  }
0x57: {  	_ =	shalt  }
0x58: {  	_ =	shalt  }
0x59: {  	_ =	shalt  }
0x5a: {  	_ =	shalt  }
0x5b: {  	_ =	shalt  }
0x5c: {  	_ =	shalt  }
0x5d: {  	_ =	shalt  }
0x5e: {  	_ =	shalt  }
0x5f: {  	_ =	shalt  }
0x60: {  	_ =	shalt  }
0x61: {  	_ =	shalt  }
0x62: {  	_ =	shalt  }
0x63: {  	_ =	shalt  }
0x64: {  	_ =	shalt  }
0x65: {  	_ =	shalt  }
0x66: {  	_ =	shalt  }
0x67: {  	_ =	shalt  }
0x68: {  	_ =	shalt  }
0x69: {  	_ =	shalt  }
0x6a: {  	_ =	shalt  }
0x6b: {  	_ =	shalt  }
0x6c: {  	_ =	shalt  }
0x6d: {  	_ =	shalt  }
0x6e: {  	_ =	shalt  }
0x6f: {  	_ =	shalt  }
0x70: {  	_ =	shalt  }
0x71: {  	_ =	shalt  }
0x72: {  	_ =	shalt  }
0x73: {  	_ =	shalt  }
0x74: {  	_ =	shalt  }
0x75: {  	_ =	shalt  }
0x76: {  	_ =	shalt  }
0x77: {  	_ =	shalt  }
0x78: {  	_ =	shalt  }
0x79: {  	_ =	shalt  }
0x7a: {  	_ =	shalt  }
0x7b: {  	_ =	shalt  }
0x7c: {  	_ =	shalt  }
0x7d: {  	_ =	shalt  }
0x7e: {  	_ =	shalt  }
0x7f: {  	_ =	shalt  }
0x80: {  	_ =	shalt  }
0x81: {  	_ =	shalt  }
0x82: {  	_ =	shalt  }
0x83: {  	_ =	shalt  }
0x84: {  	_ =	shalt  }
0x85: {  	_ =	shalt  }
0x86: {  	_ =	shalt  }
0x87: {  	_ =	shalt  }
.Lfunc_end0:
.L_simem_size_0:
called_computation.1_lowered:
.L_overlay_start_0:
0x88: {  	s2 =	sld [smem:$0x3FD9]  }
0x89: {  	s3 =	sld [smem:$0x3FFE];
	_ =	sdelay $0x1  }
0x8a: {  	s1 =	srdreg.scid  }
0x8b: {  	s0 =	sand.u32 $0x1, s1  }
0x8c: {  	s17 =	sshll.u32 s0, $0xA;
	s2 =	sadd.s32 s3, s2  }
0x8d: {  	s2 =	sadd.s32 s2, s17  }
0x8e: {  	[smem:$0x3FBD] =	sst s2  }
0x8f: {  	_ = 	snop  }
0x90: {  	(tm) =	ssettm $0x1  }
0x91: {  	s18 =	sld [smem:$0x3FFB];
	_ =	sdelay $0x3  }
0x92: {  	_ =	strace s18  }
0x93: {  	s2 =	sld [smem:$0x3FFC];
	_ =	sdelay $0x3  }
0x94: {  	_ =	strace s2  }
0x95: {  	s2 =	sld [smem:$0x3FFD];
	_ =	sdelay $0x3  }
0x96: {  	_ =	strace s2  }
0x97: {  	_ =	strace $0x8FFFFFFF  }
0x98: {  	s19 =	sld [smem:$0x3FDB];
	_ =	sdelay $0x1  }
0x99: {  	s20 =	simm.s32 $_scs_section_size  }
0x9a: {  	s4 =	simm.s32 $_size__tile_overlayer_lowered;
	s5 =	simm.s32 $_tile_overlayer_lowered  }
0x9b: {  	s6 =	simm.s32 $0x1BFF;
	s21 =	sshll.u32 s5, $0x1;
	s3 =	sadd.s32 s20, s19  }
0x9c: {  	s22 =	simm.s32 $0x0;
	s4 =	sshll.u32 s4, $0x1;
	s5 =	sadd.s32 s21, s3  }
0x9d: {  	[timem:s22], [sflag:s6] =	dma.local [hbm:s5], s4  }
0x9e: {  	_ =	swait.ge [sflag:s6], s4  }
0x9f: {  	s4 =	ssub.s32 $0x0, s4;
	[sflag:s6] =	ssyncset.done $0x0  }
0xa0: {  	[sflag:s6] =	ssyncadd.s32 s4;
	_ =	sdelay $0x1  }
0xa1: {  	s23 =	simm.s32 $0x1B8B  }
0xa2: {  	_ =	swait.ge [sflag:s23], $0x1  }
0xa3: {  	[sflag:s23] =	ssyncset.done $0x0  }
0xa4: {  	[sflag:s23] =	ssyncadd.s32 $0xFFFFFFFF  }
0xa5: {  	s4 =	sld [smem:$0x0]  }
0xa6: {  	s5 =	sand.u32 $0xFFFFFFFE, s1  }
0xa7: {  	p0 =	sne.s32 s1, s5  }
0xa8: {  	s5 =	sshll.u32 @p0 s5, $0xE  }
0xa9: {  	s5 =	sadd.s32 @p0 $0x11B8D, s5;
	s6 =	sshll.u32 @p0 s4, $0x11  }
0xaa: {  	s5 =	sor.u32 @p0 s6, s5  }
0xab: {  	[sflag:s5] =	ssyncadd.remote.s32 @p0 $0x1;
	_ =	sdelay $0x1  }
0xac: {  	s5 =	simm.s32 @p0 $0x1B8D  }
0xad: {  	_ =	swait.eq @p0 [sflag:s5], $0x1  }
0xae: {  	[sflag:s5] =	ssyncadd.s32 @p0 $0xFFFFFFFF  }
0xaf: {  	s6 =	sshll.u32 @!p0 s1, $0xE  }
0xb0: {  	s6 =	sor.u32 @!p0 $0x4000, s6;
	s5 =	simm.s32 @!p0 $0x1B8D  }
0xb1: {  	s4 =	sshll.u32 @!p0 s4, $0x11;
	s6 =	sadd.s32 @!p0 $0x11B8D, s6;
	_ =	swait.eq @!p0 [sflag:s5], $0x1  }
0xb2: {  	s4 =	sor.u32 @!p0 s4, s6;
	[sflag:s5] =	ssyncadd.s32 @!p0 $0xFFFFFFFF  }
0xb3: {  	s25 =	simm.s32 $0x1B8E;
	s24 =	sld [smem:$0x3FFE];
	[sflag:s4] =	ssyncadd.remote.s32 @!p0 $0x1  }
0xb4: {  	s26 =	simm.s32 $execute0_lowered;
	[smem:$0x3FD2] =	sst s25  }
0xb5: {  	s5 =	sshll.u32 s26, $0x1;
	_ =	strace $0x80000049;
	[dreg:$0x1] =	wrdreg $0xFFFFFFFF  }
0xb6: {  	s28 =	simm.s32 $_size_execute0_lowered;
	s3 =	sadd.s32 s3, s5;
	[dreg:$0x0] =	wrdreg $0x0  }
0xb7: {  	s5 =	sshll.u32 s28, $0x1;
	[dreg:$0x2] =	wrdreg s3  }
0xb8: {  	[dreg:$0x3] =	wrdreg s5  }
0xb9: {  	[dreg:$0x4] =	wrdreg $0xC0  }
0xba: {  	_ =	task [dreg:s22], $0x5FFFF  }
0xbb: {  	[dreg:$0x1] =	wrdreg $0xFFFFFFFF  }
0xbc: {  	[dreg:$0x0] =	wrdreg $0x60  }
0xbd: {  	[dreg:$0x2] =	wrdreg s24  }
0xbe: {  	[dreg:$0x3] =	wrdreg $0x7C000  }
0xbf: {  	[dreg:$0x4] =	wrdreg $0xA  }
0xc0: {  	_ =	task.clear_ibuf [dreg:s22], $0x5FFFF;
	_ =	strace $0x90000049  }
0xc1: {  	s29 =	simm.s32 $0xA;
	_ =	strace $0x8000004B  }
0xc2: {  	_ =	swait.ge [sflag:s29], $0x1  }
0xc3: {  	[sflag:s29] =	ssyncadd.s32 $0xFFFFFFFF  }
0xc4: {  	_ =	strace $0x9000004B  }
0xc5: {  	_ =	sfence  }
0xc6: {  	s30 =	sld [smem:$0x0];
	_ =	sdelay $0x2  }
0xc7: {  	s31 =	sshll.u32 s1, $0xD;
	s1 =	sshrl.u32 s1, $0x2  }
0xc8: {  	s4 =	sand.u32 $0x4000, s31;
	s1 =	sadd.s32 s1, s30  }
0xc9: {  	s0 =	sor.u32 s4, s0;
	s1 =	sshll.u32 s1, $0x11  }
0xca: {  	s0 =	sor.u32 s1, s0  }
0xcb: {  	s0 =	sadd.s32 $0x8F2B, s0  }
0xcc: {  	[sflag:s0] =	ssyncadd.remote.s32 $0x1  }
0xcd: {  	_ =	sfence.sel $0xFFFF  }
0xce: {  	[dreg:$0x0] =	wrdreg $0xFFFFFFFF;
	(pc) =	sbr.abs _section_cstart, $3  }
0xcf: {  	[dreg:$0x1] =	wrdreg $0xFFFFFFFF  }
0xd0: {  	_ =	task.clear_ibuf [dreg:s22], $0x2FFFF;
	_ =	strace $0x9FFFFFFF  }
0xd1: {  	(tm) =	ssettm $0x7FFFFFFF  }
tec
execute0_lowered:
.L_overlay_start_1:
0x0: {  	(tag) =	ssettag $0x1  }
0x1: {  	s0 =	srdreg.scid;
	s6 =	rddreg [dreg:$0x0]  }
0x2: {  	s2 =	rddreg [dreg:$0x1];
	s3 =	simm.s32 $0x0;
	s14 =	simm.s32 $0x2800  }
0x3: {  	s15 =	simm.s32 $0x1400;
	s16 =	simm.s32 $0x80;
	s17 =	simm.s32 $0x3C00  }
0x4: {  	s18 =	simm.s32 $0x1;
	s5 =	sand.u32 $0x1, s0;
	s0 =	stileid.u32  }
0x5: {  	s19 =	simm.s32 $0x0;
	[smem:$0x7FF] =	sst s3;
	s8 =	smul.u32 $0x140000, s5  }
0x6: {  	s4 =	sadd.s32 $0x800400, s6;
	s1 =	sshll.u32 s5, $0x4;
	s9 =	smul.u32 $0x14000, s0  }
0x7: {  	s26 =	ssub.s32 $0x2, s5;
	s28 =	smul.u32 $0x50000, s0;
	s5 =	sadd.s32 $0xCA00, s6  }
0x8: {  	s31 =	sshll.u32 s0, $0x6;
	s1 =	sor.u32 s0, s1;
	s29 =	sshrl.u32 s26, $0x1  }
0x9: {  	s7 =	smul.u32 $0x280, s1;
	s1 =	rddreg [dreg:$0x2];
	_ =	strace $0x8000004A  }
0xa: {  	s25 =	sadd.s32 s9, s8;
	s12 =	ssub.s32 s26, s29;
	s30 =	sshrl.u32 s28, $0x2  }
0xb: {  	s13 =	sadd.s32 s30, s2;
	s10 =	sadd.s32 s7, s6;
	s7 =	sshrl.u32 s25, $0x3  }
0xc: {  	s11 =	sadd.s32 s7, s6;
	s6 =	sor.u32 $0x1C02, s31;
	s7 =	sadd.s32 $0x7A00, s10  }
0xd: {  	s8 =	sadd.s32 $0x2A00, s10;
	s9 =	sadd.s32 $0x5F200, s10;
	s10 =	sadd.s32 $0x64200, s11  }
0xe: {  	s11 =	smax.u32 s12, $0x1;
	s12 =	sshrl.u32 s13, $0x3;
	s13 =	simm.s32 $0x2  }
.LBB2_1:
0xf: {  	[spmem:s12], [sflag:s6] =	dma.local [hbm:s5], $0x2800  }
0x10: {  	_ =	swait.ge [sflag:s13], $0x2800  }
0x11: {  	[sflag:s13] =	ssyncset.done $0x0  }
0x12: {  	[sflag:s13] =	ssyncadd.s32 $0xFFFFD800  }
0x13: {  	[tilespmem:s14], [sflag:$0x2] =	stream.linear.gather [hbm4b:s7+s3], $0x1400, $0x38;
	[tilespmem:$0x1BC00] =	vst v63  }
0x14: {  	_ =	swait.ge [sflag:s13], $0x1400  }
0x15: {  	[sflag:s13] =	ssyncset.done $0x0  }
0x16: {  	[sflag:s13] =	ssyncadd.s32 $0xFFFFEC00  }
0x17: {  	[tilespmem:s3], [sflag:$0x2] =	stream.linear.gather [hbm4b:s8+s3], $0x1400, $0x38;
	[tilespmem:$0x1BC00] =	vst v63  }
0x18: {  	_ =	swait.ge [sflag:s13], $0x1400  }
0x19: {  	[sflag:s13] =	ssyncset.done $0x0  }
0x1a: {  	[sflag:s13] =	ssyncadd.s32 $0xFFFFEC00  }
0x1b: {  	[tilespmem:s15], [sflag:$0x2] =	stream.linear.gather [hbm4b:s9+s3], $0x1400, $0x38;
	[tilespmem:$0x1BC00] =	vst v63  }
0x1c: {  	_ =	swait.ge [sflag:s13], $0x1400  }
0x1d: {  	[sflag:s13] =	ssyncset.done $0x0  }
0x1e: {  	s20 =	simm.s32 $0x0;
	[sflag:s13] =	ssyncadd.s32 $0xFFFFEC00  }
0x1f: {  	v5 =	vld [tilespmem:s20+$0x1400]  }
0x20: {  	v4 =	vld [tilespmem:s20+$0x1410]  }
0x21: {  	v3 =	vld [tilespmem:s20+$0x1420]  }
0x22: {  	v2 =	vld [tilespmem:s20+$0x1430]  }
0x23: {  	v1 =	vld [tilespmem:s20+$0x1440]  }
0x24: {  	v0 =	vld [tilespmem:s20+$0x1450]  }
0x25: {  	v6 =	vld [tilespmem:s20+$0x2800]  }
0x26: {  	v11 =	vld [tilespmem:s20+$0x2810]  }
0x27: {  	v10 =	vld [tilespmem:s20+$0x2820]  }
0x28: {  	v9 =	vld [tilespmem:s20+$0x2830]  }
0x29: {  	v8 =	vld [tilespmem:s20+$0x2840]  }
0x2a: {  	v7 =	vld [tilespmem:s20+$0x2850];
	v12 =	vmul.u32 $0x32, v6  }
0x2b: {  	s21 =	simm.s32 $0x200;
	v11 =	vmul.u32 $0x32, v11;
	v6 =	vld [tilespmem:s20+$0x2860]  }
.LBB2_2:
0x2c: {  	p0 =	sne.s32 s21, $0x4E00;
	v5 =	vadd.s32 v5, v12;
	v10 =	vmul.u32 $0x32, v10;
	v12 =	vld [tilespmem:s20+$0x2870]  }
0x2d: {  	[tilespmem:s20+$0x2800] =	vst v5;
	v4 =	vadd.s32 v4, v11;
	v9 =	vmul.u32 $0x32, v9;
	v11 =	vld [tilespmem:s20+$0x1460]  }
0x2e: {  	s22 =	sshra.s32 s21, $0x2;
	[tilespmem:s20+$0x2810] =	vst v4;
	v3 =	vadd.s32 v3, v10;
	v8 =	vmul.u32 $0x32, v8;
	v10 =	vld [tilespmem:s20+$0x1470]  }
0x2f: {  	v5 =	vld [tilespmem:s22+$0x1400];
	[tilespmem:s20+$0x2820] =	vst v3;
	v2 =	vadd.s32 v2, v9;
	v7 =	vmul.u32 $0x32, v7  }
0x30: {  	v4 =	vld [tilespmem:s22+$0x1410];
	[tilespmem:s20+$0x2830] =	vst v2;
	v1 =	vadd.s32 v1, v8;
	v6 =	vmul.u32 $0x32, v6  }
0x31: {  	v3 =	vld [tilespmem:s22+$0x1420];
	[tilespmem:s20+$0x2840] =	vst v1;
	v0 =	vadd.s32 v0, v7;
	v7 =	vmul.u32 $0x32, v12  }
0x32: {  	v2 =	vld [tilespmem:s22+$0x1430];
	[tilespmem:s20+$0x2850] =	vst v0;
	v0 =	vadd.s32 v11, v6  }
0x33: {  	v1 =	vld [tilespmem:s22+$0x1440];
	[tilespmem:s20+$0x2860] =	vst v0;
	v6 =	vadd.s32 v10, v7  }
0x34: {  	v0 =	vld [tilespmem:s22+$0x1450];
	[tilespmem:s20+$0x2870] =	vst v6;
	s20 =	smov.u32 s22  }
0x35: {  	v6 =	vld [tilespmem:s20+$0x2800]  }
0x36: {  	v11 =	vld [tilespmem:s20+$0x2810]  }
.Ltmp0:
0x37: {  	v10 =	vld [tilespmem:s20+$0x2820];
	(pc) =	sbr.rel @p0 .LBB2_2-.Ltmp0, $4  }
0x38: {  	v9 =	vld [tilespmem:s20+$0x2830]  }
0x39: {  	v8 =	vld [tilespmem:s20+$0x2840]  }
0x3a: {  	v12 =	vmul.u32 $0x32, v6;
	v7 =	vld [tilespmem:s20+$0x2850]  }
0x3b: {  	s21 =	sadd.s32 $0x200, s21;
	v11 =	vmul.u32 $0x32, v11;
	v6 =	vld [tilespmem:s20+$0x2860]  }
0x3c: {  	v5 =	vadd.s32 v5, v12;
	v54 =	vld [tilespmem:s20+$0x2870];
	v55 =	vmul.u32 $0x32, v10  }
0x3d: {  	v56 =	vld [tilespmem:s20+$0x1460];
	[tilespmem:s20+$0x2800] =	vst v5;
	v4 =	vadd.s32 v4, v11;
	v9 =	vmul.u32 $0x32, v9  }
0x3e: {  	v58 =	vld [tilespmem:s20+$0x1470];
	[tilespmem:s20+$0x2810] =	vst v4;
	v3 =	vadd.s32 v3, v55;
	v57 =	vmul.u32 $0x32, v8  }
0x3f: {  	[tilespmem:s20+$0x2820] =	vst v3;
	v2 =	vadd.s32 v2, v9;
	v59 =	vmul.u32 $0x32, v7  }
0x40: {  	[tilespmem:s20+$0x2830] =	vst v2;
	v1 =	vadd.s32 v1, v57;
	v60 =	vmul.u32 $0x32, v6  }
0x41: {  	[tilespmem:s20+$0x2840] =	vst v1;
	v0 =	vadd.s32 v0, v59;
	v61 =	vmul.u32 $0x32, v54  }
0x42: {  	[tilespmem:s20+$0x2850] =	vst v0;
	v62 =	vadd.s32 v56, v60  }
0x43: {  	[tilespmem:s20+$0x2860] =	vst v62;
	v63 =	vadd.s32 v58, v61  }
0x44: {  	[tilespmem:s20+$0x2870] =	vst v63  }
0x45: {  	s30 =	simm.s32 $0x2800;
	[bflag:$0x0] =	sbarrier.arrive $0xFFFF  }
0x46: {  	[tilespmem:s17], [sflag:$0x1] =	stream.indirect.gather [hbm4b:s4+s16], $0x80, s30, s16, $0xb8;
	[tilespmem:$0x1BC00] =	vst v63  }
0x47: {  	_ =	swait.ge [sflag:s18], $0x4000  }
0x48: {  	[sflag:s18] =	ssyncset.done $0x0  }
0x49: {  	s31 =	simm.s32 $0x0;
	[sflag:s18] =	ssyncadd.s32 $0xFFFFC000  }
0x4a: {  	[spmem:s2] =	stream.indirect.scatter.add.f32 [tilespmem:s17], [sflag:$0x2], $0x80, s31, s16, $0xb8;
	[tilespmem:$0x1BC00] =	vst v63  }
0x4b: {  	_ =	swait.ge [sflag:s13], $0x4000  }
0x4c: {  	s21 =	simm.s32 $0x400;
	s20 =	simm.s32 $0x80;
	[sflag:s13] =	ssyncset.done $0x0  }
.LBB2_4:
0x4d: {  	s22 =	sadd.s32 $0x2800, s20  }
0x4e: {  	[sflag:s13] =	ssyncadd.s32 $0xFFFFC000;
	s23 =	smov.u32 s21;
	s24 =	sadd.s32 $0x200, s21  }
0x4f: {  	[tilespmem:s17], [sflag:$0x1] =	stream.indirect.gather [hbm4b:s4+s16], $0x80, s22, s16, $0xb8;
	[tilespmem:$0x1BC00] =	vst v63  }
0x50: {  	p0 =	sne.s32 s21, $0x4E00;
	_ =	swait.ge [sflag:s18], $0x4000  }
.Ltmp1:
0x51: {  	[sflag:s18] =	ssyncset.done $0x0;
	(pc) =	sbr.rel @p0 .LBB2_4-.Ltmp1, $4  }
0x52: {  	[sflag:s18] =	ssyncadd.s32 $0xFFFFC000  }
0x53: {  	[spmem:s2] =	stream.indirect.scatter.add.f32 [tilespmem:s17], [sflag:$0x2], $0x80, s20, s16, $0xb8;
	[tilespmem:$0x1BC00] =	vst v63  }
0x54: {  	_ =	swait.ge [sflag:s13], $0x4000  }
0x55: {  	s21 =	smov.u32 s24;
	s20 =	sshra.s32 s23, $0x2;
	[sflag:s13] =	ssyncset.done $0x0  }
0x56: {  	s21 =	sadd.s32 $0x2800, s20;
	[sflag:s13] =	ssyncadd.s32 $0xFFFFC000  }
0x57: {  	[tilespmem:s17], [sflag:$0x1] =	stream.indirect.gather [hbm4b:s4+s16], $0x80, s21, s16, $0xb8;
	[tilespmem:$0x1BC00] =	vst v63  }
0x58: {  	_ =	swait.ge [sflag:s18], $0x4000  }
0x59: {  	[sflag:s18] =	ssyncset.done $0x0  }
0x5a: {  	[sflag:s18] =	ssyncadd.s32 $0xFFFFC000  }
0x5b: {  	[spmem:s2] =	stream.indirect.scatter.add.f32 [tilespmem:s17], [sflag:$0x2], $0x80, s20, s16, $0xb8;
	[tilespmem:$0x1BC00] =	vst v63  }
0x5c: {  	_ =	swait.ge [sflag:s13], $0x4000  }
0x5d: {  	s19 =	sadd.s32 $0x1, s19;
	[sflag:s13] =	ssyncset.done $0x0  }
0x5e: {  	p0 =	sne.s32 s19, s11;
	[sflag:s13] =	ssyncadd.s32 $0xFFFFC000  }
.Ltmp2:
0x5f: {  	[bflag:$0x0] =	sbarrier.arrive $0xFFFF;
	(pc) =	sbr.rel @p0 .LBB2_1-.Ltmp2, $4  }
0x60: {  	[hbm:s10], [sflag:s6] =	dma.local [spmem:s12], $0x2800  }
0x61: {  	_ =	swait.ge [sflag:s13], $0x2800  }
0x62: {  	[sflag:s13] =	ssyncset.done $0x0  }
0x63: {  	[sflag:s13] =	ssyncadd.s32 $0xFFFFD800  }
0x64: {  	_ =	sfence.sel $0x180000  }
0x65: {  	[bflag:$0x0] =	sbarrier.arrive $0xFFFF  }
0x66: {  	p0 =	sne.s32 s0, $0x0;
	_ =	strace $0x9000004A  }
0x67: {  	s0 =	sadd.s32 @!p0 $0x100000, s1;
	[bflag:$0x2] =	sbarrier.arrive $0xFFFF  }
0x68: {  	[sflag:s0] =	ssyncadd.tile.s32 @!p0 $0x1;
	_ =	shalt  }
.Lfunc_end2:
_tile_overlayer_lowered:
.L_overlay_start_2:
0x69: {  	(tag) =	ssettag $0x2  }
0x6a: {  	s0 =	rddreg [dreg:$0x0];
	s2 =	stileid.u32  }
0x6b: {  	s1 =	rddreg [dreg:$0x1];
	p0 =	sne.s32 s2, $0x0  }
0x6c: {  	s3 =	rddreg [dreg:$0x2];
	[bflag:$0x3] =	sbarrier.arrive $0xFFFF;
	s2 =	simm.s32 @!p0 $0x1C02  }
0x6d: {  	[timem:s3], [sflag:s2] =	dma.local @!p0 [hbm:s0], s1  }
0x6e: {  	s0 =	simm.s32 @!p0 $0x2  }
0x6f: {  	_ =	swait.ge @!p0 [sflag:s0], s1  }
0x70: {  	s1 =	ssub.s32 @!p0 $0x0, s1;
	[sflag:s0] =	ssyncset.done @!p0 $0x0  }
0x71: {  	[sflag:s0] =	ssyncadd.s32 @!p0 s1  }
0x72: {  	[bflag:$0x3] =	sbarrier.arrive $0xFFFF  }
0x73: {  	_ =	shalt  }

// kernel: kernel.15.cloned.1.call-start
scs
__scs_entry_jumppad:
0x0: {  	(pc) =	sbr.rel $0x88, $3  }
0x1: {  	(tag) =	ssettag $0x0;
	lr =	simm.s32 $0x1  }
0x2: {  	[smem:$0x3F96] =	sst lr;
	_ =	strace $0xD0000000  }
0x3: {  	_ = 	snop  }
0x4: {  	_ = 	snop  }
0x5: {  	_ = 	snop  }
0x6: {  	_ = 	snop  }
0x7: {  	_ = 	snop  }
__scs_overlays_trampoline_lowered:
0x8: {  	[smem:$0x3FA5] =	sst s0  }
0x9: {  	[smem:$0x3FA6] =	sst s1  }
0xa: {  	[smem:$0x3FA7] =	sst s2  }
0xb: {  	[smem:$0x3FA8] =	sst s3  }
0xc: {  	[smem:$0x3FA9] =	sst s4  }
0xd: {  	[smem:$0x3FAA] =	sst s5  }
0xe: {  	[smem:$0x3FAB] =	sst s6  }
0xf: {  	[smem:$0x3FAC] =	sst s7  }
0x10: {  	[smem:$0x3FAD] =	sst s8  }
0x11: {  	[smem:$0x3FAE] =	sst s9;
	s0 =	simm.s32 @!p0 $0x0  }
0x12: {  	s1 =	sld [smem:$0x3F94];
	s0 =	simm.s32 @p0 $0x1  }
0x13: {  	[smem:$0x3FAF] =	sst s0;
	s0 =	simm.s32 @!p1 $0x0  }
0x14: {  	s2 =	sld [smem:$0x3F93];
	s0 =	simm.s32 @p1 $0x1  }
0x15: {  	[smem:$0x3FB0] =	sst s0;
	s0 =	simm.s32 @!p2 $0x0  }
0x16: {  	s3 =	sld [smem:$0x3FDB];
	s0 =	simm.s32 @p2 $0x1  }
0x17: {  	s4 =	simm.s32 $0x1BF5;
	[smem:$0x3FB2] =	sst s0  }
0x18: {  	s0 =	sld [smem:$0x3F95];
	_ =	swait.ge [sflag:s4], $0x0  }
0x19: {  	s7 =	sld [smem:$0x3F96]  }
0x1a: {  	s8 =	sadd.s32 $0xFFFFE003, lr  }
0x1b: {  	s9 =	sadd.s32 $0xFFFFFEF7, lr;
	s5 =	simm.s32 $0xFFFFFFFF;
	p2 =	slt.u32 s8, $0xFFFFF086  }
0x1c: {  	p1 =	slt.u32 s9, $0xF7A;
	s5 =	simm.s32 @!p2 $0x0  }
0x1d: {  	s5 =	simm.s32 @p1 $0x1;
	p0 =	seq.s32 s7, s2  }
0x1e: {  	s7 =	smul.u32 @!p0 $0xF7A, s2;
	p2 =	seq.s32 @!p0 s5, $0x0  }
0x1f: {  	s9 =	smul.u32 $0xF7A, s1;
	s8 =	simm.s32 @!p0 $0x1BF5;
	p2 =	por !p2, p0  }
0x20: {  	[sflag:s8] =	ssyncset.s32 @!p0 $0xFFFFF086;
	s6 =	sadd.s32 @!p0 s3, s7;
	s7 =	simm.s32 @!p0 $0x108  }
0x21: {  	s3 =	sadd.s32 s3, s9;
	s6 =	sadd.s32 @!p0 $0x88, s6;
	s7 =	simm.s32 @p2 $0x1082  }
0x22: {  	[simem:s7], [sflag:s8] =	dma.local @!p0 [hbm:s6], $0xF7A  }
0x23: {  	s9 =	sor.u32 $0xD0000000, s2;
	s6 =	simm.s32 $0x108;
	_ =	swait.ge @!p0 [sflag:s8], $0x0  }
0x24: {  	s3 =	sadd.s32 $0x88, s3;
	s6 =	simm.s32 @!p1 $0x1082;
	[sflag:s4] =	ssyncset.s32 $0xFFFFF086  }
0x25: {  	[simem:s6], [sflag:s4] =	dma.local [hbm:s3], $0xF7A  }
0x26: {  	[smem:$0x3F96] =	sst s1;
	(tag) =	ssettag s2;
	_ =	strace s9  }
0x27: {  	s1 =	sld [smem:$0x3FA6]  }
0x28: {  	s2 =	sld [smem:$0x3FA7]  }
0x29: {  	s4 =	sld [smem:$0x3FA9]  }
0x2a: {  	p0 =	seq.s32 s5, $0x0;
	s5 =	sld [smem:$0x3FAA]  }
0x2b: {  	s6 =	sld [smem:$0x3FAB]  }
0x2c: {  	s7 =	sld [smem:$0x3FAC]  }
0x2d: {  	s3 =	simm.s32 $0x108;
	s8 =	sld [smem:$0x3FAD]  }
0x2e: {  	s3 =	simm.s32 @!p0 $0x1082;
	s9 =	sld [smem:$0x3FAE]  }
0x2f: {  	lr =	sadd.s32 s0, s3;
	s0 =	sld [smem:$0x3FA5]  }
0x30: {  	s3 =	sld [smem:$0x3FA8]  }
0x31: {  	[smem:$0x3FB1] =	sst s10  }
0x32: {  	s10 =	sld [smem:$0x3FAF];
	_ =	sdelay $0x3  }
0x33: {  	p0 =	seq.s32 s10, $0x1;
	s10 =	sld [smem:$0x3FB1];
	_ =	sdelay $0x3  }
0x34: {  	[smem:$0x3FB1] =	sst s10  }
0x35: {  	s10 =	sld [smem:$0x3FB0];
	_ =	sdelay $0x3  }
0x36: {  	p1 =	seq.s32 s10, $0x1;
	s10 =	sld [smem:$0x3FB1];
	_ =	sdelay $0x3  }
0x37: {  	[smem:$0x3FB1] =	sst s10  }
0x38: {  	s10 =	sld [smem:$0x3FB2]  }
0x39: {  	_ = 	snop;
	(pc) =	sbr.ind lr, $3  }
0x3a: {  	_ = 	snop  }
0x3b: {  	_ = 	snop  }
0x3c: {  	p2 =	seq.s32 s10, $0x1;
	s10 =	sld [smem:$0x3FB1]  }
0x3d: {  	_ =	shalt  }
0x3e: {  	_ =	shalt  }
0x3f: {  	_ =	shalt  }
0x40: {  	_ =	shalt  }
0x41: {  	_ =	shalt  }
0x42: {  	_ =	shalt  }
0x43: {  	_ =	shalt  }
0x44: {  	_ =	shalt  }
0x45: {  	_ =	shalt  }
0x46: {  	_ =	shalt  }
0x47: {  	_ =	shalt  }
0x48: {  	_ =	shalt  }
0x49: {  	_ =	shalt  }
0x4a: {  	_ =	shalt  }
0x4b: {  	_ =	shalt  }
0x4c: {  	_ =	shalt  }
0x4d: {  	_ =	shalt  }
0x4e: {  	_ =	shalt  }
0x4f: {  	_ =	shalt  }
0x50: {  	_ =	shalt  }
0x51: {  	_ =	shalt  }
0x52: {  	_ =	shalt  }
0x53: {  	_ =	shalt  }
0x54: {  	_ =	shalt  }
0x55: {  	_ =	shalt  }
0x56: {  	_ =	shalt  }
0x57: {  	_ =	shalt  }
0x58: {  	_ =	shalt  }
0x59: {  	_ =	shalt  }
0x5a: {  	_ =	shalt  }
0x5b: {  	_ =	shalt  }
0x5c: {  	_ =	shalt  }
0x5d: {  	_ =	shalt  }
0x5e: {  	_ =	shalt  }
0x5f: {  	_ =	shalt  }
0x60: {  	_ =	shalt  }
0x61: {  	_ =	shalt  }
0x62: {  	_ =	shalt  }
0x63: {  	_ =	shalt  }
0x64: {  	_ =	shalt  }
0x65: {  	_ =	shalt  }
0x66: {  	_ =	shalt  }
0x67: {  	_ =	shalt  }
0x68: {  	_ =	shalt  }
0x69: {  	_ =	shalt  }
0x6a: {  	_ =	shalt  }
0x6b: {  	_ =	shalt  }
0x6c: {  	_ =	shalt  }
0x6d: {  	_ =	shalt  }
0x6e: {  	_ =	shalt  }
0x6f: {  	_ =	shalt  }
0x70: {  	_ =	shalt  }
0x71: {  	_ =	shalt  }
0x72: {  	_ =	shalt  }
0x73: {  	_ =	shalt  }
0x74: {  	_ =	shalt  }
0x75: {  	_ =	shalt  }
0x76: {  	_ =	shalt  }
0x77: {  	_ =	shalt  }
0x78: {  	_ =	shalt  }
0x79: {  	_ =	shalt  }
0x7a: {  	_ =	shalt  }
0x7b: {  	_ =	shalt  }
0x7c: {  	_ =	shalt  }
0x7d: {  	_ =	shalt  }
0x7e: {  	_ =	shalt  }
0x7f: {  	_ =	shalt  }
0x80: {  	_ =	shalt  }
0x81: {  	_ =	shalt  }
0x82: {  	_ =	shalt  }
0x83: {  	_ =	shalt  }
0x84: {  	_ =	shalt  }
0x85: {  	_ =	shalt  }
0x86: {  	_ =	shalt  }
0x87: {  	_ =	shalt  }
.Lfunc_end0:
.L_simem_size_0:
called_computation.2_lowered:
.L_overlay_start_0:
0x88: {  	s2 =	sld [smem:$0x3FD9]  }
0x89: {  	s3 =	sld [smem:$0x3FFE];
	_ =	sdelay $0x1  }
0x8a: {  	s1 =	srdreg.scid  }
0x8b: {  	s0 =	sand.u32 $0x1, s1  }
0x8c: {  	s16 =	sshll.u32 s0, $0xA;
	s2 =	sadd.s32 s3, s2  }
0x8d: {  	s2 =	sadd.s32 s2, s16  }
0x8e: {  	[smem:$0x3FBD] =	sst s2  }
0x8f: {  	_ = 	snop  }
0x90: {  	(tm) =	ssettm $0x1  }
0x91: {  	s17 =	sld [smem:$0x3FFB];
	_ =	sdelay $0x3  }
0x92: {  	_ =	strace s17  }
0x93: {  	s2 =	sld [smem:$0x3FFC];
	_ =	sdelay $0x3  }
0x94: {  	_ =	strace s2  }
0x95: {  	s2 =	sld [smem:$0x3FFD];
	_ =	sdelay $0x3  }
0x96: {  	_ =	strace s2  }
0x97: {  	_ =	strace $0x8FFFFFFF  }
0x98: {  	s18 =	sld [smem:$0x3FDB];
	_ =	sdelay $0x1  }
0x99: {  	s19 =	simm.s32 $_scs_section_size  }
0x9a: {  	s4 =	simm.s32 $_size__tile_overlayer_lowered;
	s5 =	simm.s32 $_tile_overlayer_lowered  }
0x9b: {  	s22 =	simm.s32 $0x1BFF;
	s21 =	sshll.u32 s5, $0x1;
	s2 =	sadd.s32 s19, s18  }
0x9c: {  	s6 =	simm.s32 $0x0;
	s20 =	sshll.u32 s4, $0x1;
	s4 =	sadd.s32 s21, s2  }
0x9d: {  	[timem:s6], [sflag:s22] =	dma.local [hbm:s4], s20  }
0x9e: {  	_ =	swait.ge [sflag:s22], s20  }
0x9f: {  	s3 =	ssub.s32 $0x0, s20;
	[sflag:s22] =	ssyncset.done $0x0  }
0xa0: {  	[sflag:s22] =	ssyncadd.s32 s3;
	_ =	sdelay $0x1  }
0xa1: {  	s23 =	simm.s32 $0x1B8B  }
0xa2: {  	_ =	swait.ge [sflag:s23], $0x1  }
0xa3: {  	[sflag:s23] =	ssyncset.done $0x0  }
0xa4: {  	s25 =	simm.s32 $0x1B8E;
	s24 =	sld [smem:$0x3FFE];
	[sflag:s23] =	ssyncadd.s32 $0xFFFFFFFF  }
0xa5: {  	s26 =	simm.s32 $execute0_lowered;
	[smem:$0x3FD2] =	sst s25  }
0xa6: {  	s4 =	sshll.u32 s26, $0x1;
	_ =	strace $0x8000004C;
	[dreg:$0x1] =	wrdreg $0xFFFFFFFF  }
0xa7: {  	s28 =	simm.s32 $_size_execute0_lowered;
	s2 =	sadd.s32 s2, s4;
	[dreg:$0x0] =	wrdreg $0x0  }
0xa8: {  	s4 =	sshll.u32 s28, $0x1;
	[dreg:$0x2] =	wrdreg s2  }
0xa9: {  	[dreg:$0x3] =	wrdreg s4  }
0xaa: {  	[dreg:$0x4] =	wrdreg $0xC0  }
0xab: {  	_ =	task [dreg:s6], $0x5FFFF  }
0xac: {  	[dreg:$0x1] =	wrdreg $0xFFFFFFFF  }
0xad: {  	[dreg:$0x0] =	wrdreg $0x60  }
0xae: {  	[dreg:$0x2] =	wrdreg s24  }
0xaf: {  	[dreg:$0x3] =	wrdreg $0x7C000  }
0xb0: {  	[dreg:$0x4] =	wrdreg $0x9  }
0xb1: {  	_ =	task.clear_ibuf [dreg:s6], $0x5FFFF;
	_ =	strace $0x9000004C  }
0xb2: {  	s29 =	simm.s32 $0x9;
	_ =	strace $0x8000004E  }
0xb3: {  	_ =	swait.ge [sflag:s29], $0x1  }
0xb4: {  	[sflag:s29] =	ssyncadd.s32 $0xFFFFFFFF  }
0xb5: {  	_ =	strace $0x9000004E  }
0xb6: {  	_ =	sfence  }
0xb7: {  	s30 =	sld [smem:$0x0];
	_ =	sdelay $0x2  }
0xb8: {  	s31 =	sshll.u32 s1, $0xD;
	s1 =	sshrl.u32 s1, $0x2  }
0xb9: {  	s3 =	sand.u32 $0x4000, s31;
	s1 =	sadd.s32 s1, s30  }
0xba: {  	s0 =	sor.u32 s3, s0;
	s1 =	sshll.u32 s1, $0x11  }
0xbb: {  	s0 =	sor.u32 s1, s0  }
0xbc: {  	s0 =	sadd.s32 $0x8F2B, s0  }
0xbd: {  	[sflag:s0] =	ssyncadd.remote.s32 $0x1  }
0xbe: {  	_ =	sfence.sel $0xFFFF  }
0xbf: {  	[dreg:$0x0] =	wrdreg $0xFFFFFFFF;
	(pc) =	sbr.abs _section_cstart, $3  }
0xc0: {  	[dreg:$0x1] =	wrdreg $0xFFFFFFFF  }
0xc1: {  	_ =	task.clear_ibuf [dreg:s6], $0x2FFFF;
	_ =	strace $0x9FFFFFFF  }
0xc2: {  	(tm) =	ssettm $0x7FFFFFFF  }
0xc3: {  	_ =	shalt  }
tec
execute0_lowered:
.L_overlay_start_1:
0x0: {  	(tag) =	ssettag $0x1  }
0x1: {  	s0 =	srdreg.scid;
	s6 =	rddreg [dreg:$0x0]  }
0x2: {  	s2 =	rddreg [dreg:$0x1];
	s3 =	simm.s32 $0x0;
	s14 =	simm.s32 $0x2800  }
0x3: {  	s15 =	simm.s32 $0x1400;
	s16 =	simm.s32 $0x80;
	s17 =	simm.s32 $0x3C00  }
0x4: {  	s18 =	simm.s32 $0x1;
	s5 =	sand.u32 $0x1, s0;
	s0 =	stileid.u32  }
0x5: {  	s19 =	simm.s32 $0x0;
	[smem:$0x7FF] =	sst s3;
	s8 =	smul.u32 $0x140000, s5  }
0x6: {  	s4 =	sadd.s32 $0x805400, s6;
	s1 =	sshll.u32 s5, $0x4;
	s9 =	smul.u32 $0x14000, s0  }
0x7: {  	s26 =	ssub.s32 $0x2, s5;
	s28 =	smul.u32 $0x50000, s0;
	s5 =	sadd.s32 $0xCA00, s6  }
0x8: {  	s31 =	sshll.u32 s0, $0x6;
	s1 =	sor.u32 s0, s1;
	s29 =	sshrl.u32 s26, $0x1  }
0x9: {  	s7 =	smul.u32 $0x280, s1;
	s1 =	rddreg [dreg:$0x2];
	_ =	strace $0x8000004D  }
0xa: {  	s25 =	sadd.s32 s9, s8;
	s12 =	ssub.s32 s26, s29;
	s30 =	sshrl.u32 s28, $0x2  }
0xb: {  	s13 =	sadd.s32 s30, s2;
	s10 =	sadd.s32 s7, s6;
	s7 =	sshrl.u32 s25, $0x3  }
0xc: {  	s11 =	sadd.s32 s7, s6;
	s6 =	sor.u32 $0x1C02, s31;
	s7 =	sadd.s32 $0x7A00, s10  }
0xd: {  	s8 =	sadd.s32 $0x2A00, s10;
	s9 =	sadd.s32 $0x5F200, s10;
	s10 =	sadd.s32 $0x64200, s11  }
0xe: {  	s11 =	smax.u32 s12, $0x1;
	s12 =	sshrl.u32 s13, $0x3;
	s13 =	simm.s32 $0x2  }
.LBB2_1:
0xf: {  	[spmem:s12], [sflag:s6] =	dma.local [hbm:s5], $0x2800  }
0x10: {  	_ =	swait.ge [sflag:s13], $0x2800  }
0x11: {  	[sflag:s13] =	ssyncset.done $0x0  }
0x12: {  	[sflag:s13] =	ssyncadd.s32 $0xFFFFD800  }
0x13: {  	[tilespmem:s14], [sflag:$0x2] =	stream.linear.gather [hbm4b:s7+s3], $0x1400, $0x38;
	[tilespmem:$0x1BC00] =	vst v63  }
0x14: {  	_ =	swait.ge [sflag:s13], $0x1400  }
0x15: {  	[sflag:s13] =	ssyncset.done $0x0  }
0x16: {  	[sflag:s13] =	ssyncadd.s32 $0xFFFFEC00  }
0x17: {  	[tilespmem:s3], [sflag:$0x2] =	stream.linear.gather [hbm4b:s8+s3], $0x1400, $0x38;
	[tilespmem:$0x1BC00] =	vst v63  }
0x18: {  	_ =	swait.ge [sflag:s13], $0x1400  }
0x19: {  	[sflag:s13] =	ssyncset.done $0x0  }
0x1a: {  	[sflag:s13] =	ssyncadd.s32 $0xFFFFEC00  }
0x1b: {  	[tilespmem:s15], [sflag:$0x2] =	stream.linear.gather [hbm4b:s9+s3], $0x1400, $0x38;
	[tilespmem:$0x1BC00] =	vst v63  }
0x1c: {  	_ =	swait.ge [sflag:s13], $0x1400  }
0x1d: {  	[sflag:s13] =	ssyncset.done $0x0  }
0x1e: {  	s20 =	simm.s32 $0x0;
	[sflag:s13] =	ssyncadd.s32 $0xFFFFEC00  }
0x1f: {  	v5 =	vld [tilespmem:s20+$0x1400]  }
0x20: {  	v4 =	vld [tilespmem:s20+$0x1410]  }
0x21: {  	v3 =	vld [tilespmem:s20+$0x1420]  }
0x22: {  	v2 =	vld [tilespmem:s20+$0x1430]  }
0x23: {  	v1 =	vld [tilespmem:s20+$0x1440]  }
0x24: {  	v0 =	vld [tilespmem:s20+$0x1450]  }
0x25: {  	v6 =	vld [tilespmem:s20+$0x2800]  }
0x26: {  	v11 =	vld [tilespmem:s20+$0x2810]  }
0x27: {  	v10 =	vld [tilespmem:s20+$0x2820]  }
0x28: {  	v9 =	vld [tilespmem:s20+$0x2830]  }
0x29: {  	v8 =	vld [tilespmem:s20+$0x2840]  }
0x2a: {  	v7 =	vld [tilespmem:s20+$0x2850];
	v12 =	vmul.u32 $0x32, v6  }
0x2b: {  	s21 =	simm.s32 $0x200;
	v11 =	vmul.u32 $0x32, v11;
	v6 =	vld [tilespmem:s20+$0x2860]  }
.LBB2_2:
0x2c: {  	p0 =	sne.s32 s21, $0x4E00;
	v5 =	vadd.s32 v5, v12;
	v10 =	vmul.u32 $0x32, v10;
	v12 =	vld [tilespmem:s20+$0x2870]  }
0x2d: {  	[tilespmem:s20+$0x2800] =	vst v5;
	v4 =	vadd.s32 v4, v11;
	v9 =	vmul.u32 $0x32, v9;
	v11 =	vld [tilespmem:s20+$0x1460]  }
0x2e: {  	s22 =	sshra.s32 s21, $0x2;
	[tilespmem:s20+$0x2810] =	vst v4;
	v3 =	vadd.s32 v3, v10;
	v8 =	vmul.u32 $0x32, v8;
	v10 =	vld [tilespmem:s20+$0x1470]  }
0x2f: {  	v5 =	vld [tilespmem:s22+$0x1400];
	[tilespmem:s20+$0x2820] =	vst v3;
	v2 =	vadd.s32 v2, v9;
	v7 =	vmul.u32 $0x32, v7  }
0x30: {  	v4 =	vld [tilespmem:s22+$0x1410];
	[tilespmem:s20+$0x2830] =	vst v2;
	v1 =	vadd.s32 v1, v8;
	v6 =	vmul.u32 $0x32, v6  }
0x31: {  	v3 =	vld [tilespmem:s22+$0x1420];
	[tilespmem:s20+$0x2840] =	vst v1;
	v0 =	vadd.s32 v0, v7;
	v7 =	vmul.u32 $0x32, v12  }
0x32: {  	v2 =	vld [tilespmem:s22+$0x1430];
	[tilespmem:s20+$0x2850] =	vst v0;
	v0 =	vadd.s32 v11, v6  }
0x33: {  	v1 =	vld [tilespmem:s22+$0x1440];
	[tilespmem:s20+$0x2860] =	vst v0;
	v6 =	vadd.s32 v10, v7  }
0x34: {  	v0 =	vld [tilespmem:s22+$0x1450];
	[tilespmem:s20+$0x2870] =	vst v6;
	s20 =	smov.u32 s22  }
0x35: {  	v6 =	vld [tilespmem:s20+$0x2800]  }
0x36: {  	v11 =	vld [tilespmem:s20+$0x2810]  }
.Ltmp0:
0x37: {  	v10 =	vld [tilespmem:s20+$0x2820];
	(pc) =	sbr.rel @p0 .LBB2_2-.Ltmp0, $4  }
0x38: {  	v9 =	vld [tilespmem:s20+$0x2830]  }
0x39: {  	v8 =	vld [tilespmem:s20+$0x2840]  }
0x3a: {  	v12 =	vmul.u32 $0x32, v6;
	v7 =	vld [tilespmem:s20+$0x2850]  }
0x3b: {  	s21 =	sadd.s32 $0x200, s21;
	v11 =	vmul.u32 $0x32, v11;
	v6 =	vld [tilespmem:s20+$0x2860]  }
0x3c: {  	v5 =	vadd.s32 v5, v12;
	v54 =	vld [tilespmem:s20+$0x2870];
	v55 =	vmul.u32 $0x32, v10  }
0x3d: {  	v56 =	vld [tilespmem:s20+$0x1460];
	[tilespmem:s20+$0x2800] =	vst v5;
	v4 =	vadd.s32 v4, v11;
	v9 =	vmul.u32 $0x32, v9  }
0x3e: {  	v58 =	vld [tilespmem:s20+$0x1470];
	[tilespmem:s20+$0x2810] =	vst v4;
	v3 =	vadd.s32 v3, v55;
	v57 =	vmul.u32 $0x32, v8  }
0x3f: {  	[tilespmem:s20+$0x2820] =	vst v3;
	v2 =	vadd.s32 v2, v9;
	v59 =	vmul.u32 $0x32, v7  }
0x40: {  	[tilespmem:s20+$0x2830] =	vst v2;
	v1 =	vadd.s32 v1, v57;
	v60 =	vmul.u32 $0x32, v6  }
0x41: {  	[tilespmem:s20+$0x2840] =	vst v1;
	v0 =	vadd.s32 v0, v59;
	v61 =	vmul.u32 $0x32, v54  }
0x42: {  	[tilespmem:s20+$0x2850] =	vst v0;
	v62 =	vadd.s32 v56, v60  }
0x43: {  	[tilespmem:s20+$0x2860] =	vst v62;
	v63 =	vadd.s32 v58, v61  }
0x44: {  	[tilespmem:s20+$0x2870] =	vst v63  }
0x45: {  	s30 =	simm.s32 $0x2800;
	[bflag:$0x0] =	sbarrier.arrive $0xFFFF  }
0x46: {  	[tilespmem:s17], [sflag:$0x1] =	stream.indirect.gather [hbm4b:s4+s16], $0x80, s30, s16, $0xb8;
	[tilespmem:$0x1BC00] =	vst v63  }
0x47: {  	_ =	swait.ge [sflag:s18], $0x4000  }
0x48: {  	[sflag:s18] =	ssyncset.done $0x0  }
0x49: {  	s31 =	simm.s32 $0x0;
	[sflag:s18] =	ssyncadd.s32 $0xFFFFC000  }
0x4a: {  	[spmem:s2] =	stream.indirect.scatter.add.f32 [tilespmem:s17], [sflag:$0x2], $0x80, s31, s16, $0xb8;
	[tilespmem:$0x1BC00] =	vst v63  }
0x4b: {  	_ =	swait.ge [sflag:s13], $0x4000  }
0x4c: {  	s21 =	simm.s32 $0x400;
	s20 =	simm.s32 $0x80;
	[sflag:s13] =	ssyncset.done $0x0  }
.LBB2_4:
0x4d: {  	s22 =	sadd.s32 $0x2800, s20  }
0x4e: {  	[sflag:s13] =	ssyncadd.s32 $0xFFFFC000;
	s23 =	smov.u32 s21;
	s24 =	sadd.s32 $0x200, s21  }
0x4f: {  	[tilespmem:s17], [sflag:$0x1] =	stream.indirect.gather [hbm4b:s4+s16], $0x80, s22, s16, $0xb8;
	[tilespmem:$0x1BC00] =	vst v63  }
0x50: {  	p0 =	sne.s32 s21, $0x4E00;
	_ =	swait.ge [sflag:s18], $0x4000  }
.Ltmp1:
0x51: {  	[sflag:s18] =	ssyncset.done $0x0;
	(pc) =	sbr.rel @p0 .LBB2_4-.Ltmp1, $4  }
0x52: {  	[sflag:s18] =	ssyncadd.s32 $0xFFFFC000  }
0x53: {  	[spmem:s2] =	stream.indirect.scatter.add.f32 [tilespmem:s17], [sflag:$0x2], $0x80, s20, s16, $0xb8;
	[tilespmem:$0x1BC00] =	vst v63  }
0x54: {  	_ =	swait.ge [sflag:s13], $0x4000  }
0x55: {  	s21 =	smov.u32 s24;
	s20 =	sshra.s32 s23, $0x2;
	[sflag:s13] =	ssyncset.done $0x0  }
0x56: {  	s21 =	sadd.s32 $0x2800, s20;
	[sflag:s13] =	ssyncadd.s32 $0xFFFFC000  }
0x57: {  	[tilespmem:s17], [sflag:$0x1] =	stream.indirect.gather [hbm4b:s4+s16], $0x80, s21, s16, $0xb8;
	[tilespmem:$0x1BC00] =	vst v63  }
0x58: {  	_ =	swait.ge [sflag:s18], $0x4000  }
0x59: {  	[sflag:s18] =	ssyncset.done $0x0  }
0x5a: {  	[sflag:s18] =	ssyncadd.s32 $0xFFFFC000  }
0x5b: {  	[spmem:s2] =	stream.indirect.scatter.add.f32 [tilespmem:s17], [sflag:$0x2], $0x80, s20, s16, $0xb8;
	[tilespmem:$0x1BC00] =	vst v63  }
0x5c: {  	_ =	swait.ge [sflag:s13], $0x4000  }
0x5d: {  	s19 =	sadd.s32 $0x1, s19;
	[sflag:s13] =	ssyncset.done $0x0  }
0x5e: {  	p0 =	sne.s32 s19, s11;
	[sflag:s13] =	ssyncadd.s32 $0xFFFFC000  }
.Ltmp2:
0x5f: {  	[bflag:$0x0] =	sbarrier.arrive $0xFFFF;
	(pc) =	sbr.rel @p0 .LBB2_1-.Ltmp2, $4  }
0x60: {  	[hbm:s10], [sflag:s6] =	dma.local [spmem:s12], $0x2800  }
0x61: {  	_ =	swait.ge [sflag:s13], $0x2800  }
0x62: {  	[sflag:s13] =	ssyncset.done $0x0  }
0x63: {  	[sflag:s13] =	ssyncadd.s32 $0xFFFFD800  }
0x64: {  	_ =	sfence.sel $0x180000  }
0x65: {  	[bflag:$0x0] =	sbarrier.arrive $0xFFFF  }
0x66: {  	p0 =	sne.s32 s0, $0x0;
	_ =	strace $0x9000004D  }
0x67: {  	s0 =	sadd.s32 @!p0 $0x100000, s1;
	[bflag:$0x2] =	sbarrier.arrive $0xFFFF  }
0x68: {  	[sflag:s0] =	ssyncadd.tile.s32 @!p0 $0x1;
	_ =	shalt  }
.Lfunc_end2:
_tile_overlayer_lowered:
.L_overlay_start_2:
0x69: {  	(tag) =	ssettag $0x2  }
0x6a: {  	s0 =	rddreg [dreg:$0x0];
	s2 =	stileid.u32  }
0x6b: {  	s1 =	rddreg [dreg:$0x1];
	p0 =	sne.s32 s2, $0x0  }
0x6c: {  	s3 =	rddreg [dreg:$0x2];
	[bflag:$0x3] =	sbarrier.arrive $0xFFFF;
	s2 =	simm.s32 @!p0 $0x1C02  }
0x6d: {  	[timem:s3], [sflag:s2] =	dma.local @!p0 [hbm:s0], s1  }
0x6e: {  	s0 =	simm.s32 @!p0 $0x2  }
0x6f: {  	_ =	swait.ge @!p0 [sflag:s0], s1  }
0x70: {  	s1 =	ssub.s32 @!p0 $0x0, s1;
	[sflag:s0] =	ssyncset.done @!p0 $0x0  }
0x71: {  	[sflag:s0] =	ssyncadd.s32 @!p0 s1  }
0x72: {  	[bflag:$0x3] =	sbarrier.arrive $0xFFFF  }
0x73: {  	_ =	shalt  }

// kernel: kernel.9.cloned.1.call-start
scs
__scs_entry_jumppad:
0x0: {  	(pc) =	sbr.rel $0x88, $3  }
0x1: {  	(tag) =	ssettag $0x0;
	lr =	simm.s32 $0x1  }
0x2: {  	[smem:$0x3F96] =	sst lr;
	_ =	strace $0xD0000000  }
0x3: {  	_ = 	snop  }
0x4: {  	_ = 	snop  }
0x5: {  	_ = 	snop  }
0x6: {  	_ = 	snop  }
0x7: {  	_ = 	snop  }
__scs_overlays_trampoline_lowered:
0x8: {  	[smem:$0x3FA5] =	sst s0  }
0x9: {  	[smem:$0x3FA6] =	sst s1  }
0xa: {  	[smem:$0x3FA7] =	sst s2  }
0xb: {  	[smem:$0x3FA8] =	sst s3  }
0xc: {  	[smem:$0x3FA9] =	sst s4  }
0xd: {  	[smem:$0x3FAA] =	sst s5  }
0xe: {  	[smem:$0x3FAB] =	sst s6  }
0xf: {  	[smem:$0x3FAC] =	sst s7  }
0x10: {  	[smem:$0x3FAD] =	sst s8  }
0x11: {  	[smem:$0x3FAE] =	sst s9;
	s0 =	simm.s32 @!p0 $0x0  }
0x12: {  	s1 =	sld [smem:$0x3F94];
	s0 =	simm.s32 @p0 $0x1  }
0x13: {  	[smem:$0x3FAF] =	sst s0;
	s0 =	simm.s32 @!p1 $0x0  }
0x14: {  	s2 =	sld [smem:$0x3F93];
	s0 =	simm.s32 @p1 $0x1  }
0x15: {  	[smem:$0x3FB0] =	sst s0;
	s0 =	simm.s32 @!p2 $0x0  }
0x16: {  	s3 =	sld [smem:$0x3FDB];
	s0 =	simm.s32 @p2 $0x1  }
0x17: {  	s4 =	simm.s32 $0x1BF5;
	[smem:$0x3FB2] =	sst s0  }
0x18: {  	s0 =	sld [smem:$0x3F95];
	_ =	swait.ge [sflag:s4], $0x0  }
0x19: {  	s7 =	sld [smem:$0x3F96]  }
0x1a: {  	s8 =	sadd.s32 $0xFFFFE003, lr  }
0x1b: {  	s9 =	sadd.s32 $0xFFFFFEF7, lr;
	s5 =	simm.s32 $0xFFFFFFFF;
	p2 =	slt.u32 s8, $0xFFFFF086  }
0x1c: {  	p1 =	slt.u32 s9, $0xF7A;
	s5 =	simm.s32 @!p2 $0x0  }
0x1d: {  	s5 =	simm.s32 @p1 $0x1;
	p0 =	seq.s32 s7, s2  }
0x1e: {  	s7 =	smul.u32 @!p0 $0xF7A, s2;
	p2 =	seq.s32 @!p0 s5, $0x0  }
0x1f: {  	s9 =	smul.u32 $0xF7A, s1;
	s8 =	simm.s32 @!p0 $0x1BF5;
	p2 =	por !p2, p0  }
0x20: {  	[sflag:s8] =	ssyncset.s32 @!p0 $0xFFFFF086;
	s6 =	sadd.s32 @!p0 s3, s7;
	s7 =	simm.s32 @!p0 $0x108  }
0x21: {  	s3 =	sadd.s32 s3, s9;
	s6 =	sadd.s32 @!p0 $0x88, s6;
	s7 =	simm.s32 @p2 $0x1082  }
0x22: {  	[simem:s7], [sflag:s8] =	dma.local @!p0 [hbm:s6], $0xF7A  }
0x23: {  	s9 =	sor.u32 $0xD0000000, s2;
	s6 =	simm.s32 $0x108;
	_ =	swait.ge @!p0 [sflag:s8], $0x0  }
0x24: {  	s3 =	sadd.s32 $0x88, s3;
	s6 =	simm.s32 @!p1 $0x1082;
	[sflag:s4] =	ssyncset.s32 $0xFFFFF086  }
0x25: {  	[simem:s6], [sflag:s4] =	dma.local [hbm:s3], $0xF7A  }
0x26: {  	[smem:$0x3F96] =	sst s1;
	(tag) =	ssettag s2;
	_ =	strace s9  }
0x27: {  	s1 =	sld [smem:$0x3FA6]  }
0x28: {  	s2 =	sld [smem:$0x3FA7]  }
0x29: {  	s4 =	sld [smem:$0x3FA9]  }
0x2a: {  	p0 =	seq.s32 s5, $0x0;
	s5 =	sld [smem:$0x3FAA]  }
0x2b: {  	s6 =	sld [smem:$0x3FAB]  }
0x2c: {  	s7 =	sld [smem:$0x3FAC]  }
0x2d: {  	s3 =	simm.s32 $0x108;
	s8 =	sld [smem:$0x3FAD]  }
0x2e: {  	s3 =	simm.s32 @!p0 $0x1082;
	s9 =	sld [smem:$0x3FAE]  }
0x2f: {  	lr =	sadd.s32 s0, s3;
	s0 =	sld [smem:$0x3FA5]  }
0x30: {  	s3 =	sld [smem:$0x3FA8]  }
0x31: {  	[smem:$0x3FB1] =	sst s10  }
0x32: {  	s10 =	sld [smem:$0x3FAF];
	_ =	sdelay $0x3  }
0x33: {  	p0 =	seq.s32 s10, $0x1;
	s10 =	sld [smem:$0x3FB1];
	_ =	sdelay $0x3  }
0x34: {  	[smem:$0x3FB1] =	sst s10  }
0x35: {  	s10 =	sld [smem:$0x3FB0];
	_ =	sdelay $0x3  }
0x36: {  	p1 =	seq.s32 s10, $0x1;
	s10 =	sld [smem:$0x3FB1];
	_ =	sdelay $0x3  }
0x37: {  	[smem:$0x3FB1] =	sst s10  }
0x38: {  	s10 =	sld [smem:$0x3FB2]  }
0x39: {  	_ = 	snop;
	(pc) =	sbr.ind lr, $3  }
0x3a: {  	_ = 	snop  }
0x3b: {  	_ = 	snop  }
0x3c: {  	p2 =	seq.s32 s10, $0x1;
	s10 =	sld [smem:$0x3FB1]  }
0x3d: {  	_ =	shalt  }
0x3e: {  	_ =	shalt  }
0x3f: {  	_ =	shalt  }
0x40: {  	_ =	shalt  }
0x41: {  	_ =	shalt  }
0x42: {  	_ =	shalt  }
0x43: {  	_ =	shalt  }
0x44: {  	_ =	shalt  }
0x45: {  	_ =	shalt  }
0x46: {  	_ =	shalt  }
0x47: {  	_ =	shalt  }
0x48: {  	_ =	shalt  }
0x49: {  	_ =	shalt  }
0x4a: {  	_ =	shalt  }
0x4b: {  	_ =	shalt  }
0x4c: {  	_ =	shalt  }
0x4d: {  	_ =	shalt  }
0x4e: {  	_ =	shalt  }
0x4f: {  	_ =	shalt  }
0x50: {  	_ =	shalt  }
0x51: {  	_ =	shalt  }
0x52: {  	_ =	shalt  }
0x53: {  	_ =	shalt  }
0x54: {  	_ =	shalt  }
0x55: {  	_ =	shalt  }
0x56: {  	_ =	shalt  }
0x57: {  	_ =	shalt  }
0x58: {  	_ =	shalt  }
0x59: {  	_ =	shalt  }
0x5a: {  	_ =	shalt  }
0x5b: {  	_ =	shalt  }
0x5c: {  	_ =	shalt  }
0x5d: {  	_ =	shalt  }
0x5e: {  	_ =	shalt  }
0x5f: {  	_ =	shalt  }
0x60: {  	_ =	shalt  }
0x61: {  	_ =	shalt  }
0x62: {  	_ =	shalt  }
0x63: {  	_ =	shalt  }
0x64: {  	_ =	shalt  }
0x65: {  	_ =	shalt  }
0x66: {  	_ =	shalt  }
0x67: {  	_ =	shalt  }
0x68: {  	_ =	shalt  }
0x69: {  	_ =	shalt  }
0x6a: {  	_ =	shalt  }
0x6b: {  	_ =	shalt  }
0x6c: {  	_ =	shalt  }
0x6d: {  	_ =	shalt  }
0x6e: {  	_ =	shalt  }
0x6f: {  	_ =	shalt  }
0x70: {  	_ =	shalt  }
0x71: {  	_ =	shalt  }
0x72: {  	_ =	shalt  }
0x73: {  	_ =	shalt  }
0x74: {  	_ =	shalt  }
0x75: {  	_ =	shalt  }
0x76: {  	_ =	shalt  }
0x77: {  	_ =	shalt  }
0x78: {  	_ =	shalt  }
0x79: {  	_ =	shalt  }
0x7a: {  	_ =	shalt  }
0x7b: {  	_ =	shalt  }
0x7c: {  	_ =	shalt  }
0x7d: {  	_ =	shalt  }
0x7e: {  	_ =	shalt  }
0x7f: {  	_ =	shalt  }
0x80: {  	_ =	shalt  }
0x81: {  	_ =	shalt  }
0x82: {  	_ =	shalt  }
0x83: {  	_ =	shalt  }
0x84: {  	_ =	shalt  }
0x85: {  	_ =	shalt  }
0x86: {  	_ =	shalt  }
0x87: {  	_ =	shalt  }
.Lfunc_end0:
.L_simem_size_0:
called_computation_lowered:
.L_overlay_start_0:
0x88: {  	s2 =	sld [smem:$0x3FD9]  }
0x89: {  	s3 =	sld [smem:$0x3FFE];
	_ =	sdelay $0x1  }
0x8a: {  	s1 =	srdreg.scid  }
0x8b: {  	s0 =	sand.u32 $0x1, s1  }
0x8c: {  	s17 =	sshll.u32 s0, $0xA;
	s2 =	sadd.s32 s3, s2  }
0x8d: {  	s2 =	sadd.s32 s2, s17  }
0x8e: {  	[smem:$0x3FBD] =	sst s2  }
0x8f: {  	_ = 	snop  }
0x90: {  	s2 =	sld [smem:$0x3FD0];
	(tm) =	ssettm $0x1  }
0x91: {  	s18 =	sld [smem:$0x3FFB];
	_ =	sdelay $0x3  }
0x92: {  	_ =	strace s18  }
0x93: {  	s3 =	sld [smem:$0x3FFC];
	_ =	sdelay $0x3  }
0x94: {  	_ =	strace s3  }
0x95: {  	s3 =	sld [smem:$0x3FFD];
	_ =	sdelay $0x3  }
0x96: {  	_ =	strace s3  }
0x97: {  	_ =	strace $0x8FFFFFFF  }
0x98: {  	s19 =	sld [smem:$0x3FDB];
	_ =	sdelay $0x1  }
0x99: {  	s4 =	simm.s32 $_scs_section_size  }
0x9a: {  	s5 =	simm.s32 $_size__tile_overlayer_lowered;
	s6 =	simm.s32 $_tile_overlayer_lowered  }
0x9b: {  	s22 =	simm.s32 $0x1BFF;
	s21 =	sshll.u32 s6, $0x1;
	s3 =	sadd.s32 s4, s19  }
0x9c: {  	s7 =	simm.s32 $0x0;
	s20 =	sshll.u32 s5, $0x1;
	s5 =	sadd.s32 s21, s3  }
0x9d: {  	[timem:s7], [sflag:s22] =	dma.local [hbm:s5], s20  }
0x9e: {  	_ =	swait.ge [sflag:s22], s20  }
0x9f: {  	s4 =	ssub.s32 $0x0, s20;
	[sflag:s22] =	ssyncset.done $0x0  }
0xa0: {  	[sflag:s22] =	ssyncadd.s32 s4;
	_ =	sdelay $0x1  }
0xa1: {  	s23 =	simm.s32 $0x1B8B  }
0xa2: {  	_ =	swait.ge [sflag:s23], $0x1  }
0xa3: {  	[sflag:s23] =	ssyncset.done $0x0  }
0xa4: {  	s25 =	simm.s32 $0x1B8E;
	s24 =	sld [smem:$0x3FFE];
	[sflag:s23] =	ssyncadd.s32 $0xFFFFFFFF  }
0xa5: {  	s26 =	simm.s32 $execute0_lowered;
	[smem:$0x3FD2] =	sst s25  }
0xa6: {  	s5 =	sshll.u32 s26, $0x1;
	_ =	strace $0x80000046;
	[dreg:$0x1] =	wrdreg $0xFFFFFFFF  }
0xa7: {  	s28 =	simm.s32 $_size_execute0_lowered;
	s3 =	sadd.s32 s3, s5;
	[dreg:$0x0] =	wrdreg $0x0  }
0xa8: {  	s5 =	sshll.u32 s28, $0x1;
	[dreg:$0x2] =	wrdreg s3  }
0xa9: {  	[dreg:$0x3] =	wrdreg s5  }
0xaa: {  	[dreg:$0x4] =	wrdreg $0xC0  }
0xab: {  	_ =	task [dreg:s7], $0x5FFFF  }
0xac: {  	[dreg:$0x1] =	wrdreg $0xFFFFFFFF  }
0xad: {  	[dreg:$0x0] =	wrdreg $0x60  }
0xae: {  	[dreg:$0x2] =	wrdreg s24  }
0xaf: {  	[dreg:$0x3] =	wrdreg s2  }
0xb0: {  	[dreg:$0x4] =	wrdreg $0x54000  }
0xb1: {  	[dreg:$0x5] =	wrdreg $0x9  }
0xb2: {  	_ =	task.clear_ibuf [dreg:s7], $0x6FFFF;
	_ =	strace $0x90000046  }
0xb3: {  	s29 =	simm.s32 $0x9;
	_ =	strace $0x80000048  }
0xb4: {  	_ =	swait.ge [sflag:s29], $0x1  }
0xb5: {  	[sflag:s29] =	ssyncadd.s32 $0xFFFFFFFF  }
0xb6: {  	_ =	strace $0x90000048  }
0xb7: {  	_ =	sfence  }
0xb8: {  	s30 =	sld [smem:$0x0];
	_ =	sdelay $0x2  }
0xb9: {  	s31 =	sshll.u32 s1, $0xD;
	s1 =	sshrl.u32 s1, $0x2  }
0xba: {  	s3 =	sand.u32 $0x4000, s31;
	s1 =	sadd.s32 s1, s30  }
0xbb: {  	s0 =	sor.u32 s3, s0;
	s1 =	sshll.u32 s1, $0x11  }
0xbc: {  	s0 =	sor.u32 s1, s0  }
0xbd: {  	s0 =	sadd.s32 $0x8F2B, s0  }
0xbe: {  	[sflag:s0] =	ssyncadd.remote.s32 $0x1  }
0xbf: {  	_ =	sfence.sel $0xFFFF  }
0xc0: {  	[dreg:$0x0] =	wrdreg $0xFFFFFFFF;
	(pc) =	sbr.abs _section_cstart, $3  }
0xc1: {  	[dreg:$0x1] =	wrdreg $0xFFFFFFFF  }
0xc2: {  	_ =	task.clear_ibuf [dreg:s7], $0x2FFFF;
	_ =	strace $0x9FFFFFFF  }
0xc3: {  	(tm) =	ssettm $0x7FFFFFFF  }
tec
execute0_lowered:
.L_overlay_start_1:
0x0: {  	(tag) =	ssettag $0x1  }
0x1: {  	s7 =	rddreg [dreg:$0x0]  }
0x2: {  	s0 =	srdreg.scid;
	s2 =	rddreg [dreg:$0x1]  }
0x3: {  	s3 =	rddreg [dreg:$0x2];
	s4 =	simm.s32 $0x0;
	s6 =	sand.u32 $0x1, s0  }
0x4: {  	s13 =	simm.s32 $0x80;
	s0 =	stileid.u32;
	s8 =	smul.u32 $0x140000, s6  }
0x5: {  	s14 =	simm.s32 $0x0;
	[smem:$0x7FF] =	sst s4;
	s9 =	smul.u32 $0x14000, s0  }
0x6: {  	s1 =	sshll.u32 s6, $0x4;
	s29 =	smul.u32 $0x50000, s0;
	s6 =	ssub.s32 $0x2, s6  }
0x7: {  	s31 =	sshll.u32 s0, $0x6;
	s1 =	sor.u32 s0, s1;
	s30 =	sshrl.u32 s6, $0x1  }
0x8: {  	s5 =	smul.u32 $0x280, s1;
	s1 =	rddreg [dreg:$0x3];
	_ =	strace $0x80000047  }
0x9: {  	s8 =	sadd.s32 s9, s8;
	s9 =	sshrl.u32 s29, $0x2;
	s11 =	ssub.s32 s6, s30  }
0xa: {  	s6 =	sor.u32 $0x1C01, s31;
	s8 =	sshrl.u32 s8, $0x3;
	s12 =	sadd.s32 s9, s3  }
0xb: {  	s9 =	smax.u32 s11, $0x1;
	s11 =	simm.s32 $0x1;
	s10 =	sadd.s32 s5, s7  }
0xc: {  	s5 =	sadd.s32 $0xCA00, s7;
	s8 =	sadd.s32 s8, s7;
	s7 =	sadd.s32 $0x2A00, s10  }
0xd: {  	s8 =	sadd.s32 $0xF200, s8;
	s10 =	sshrl.u32 s12, $0x3;
	s12 =	simm.s32 $0x1400  }
.LBB2_1:
0xe: {  	[spmem:s10], [sflag:s6] =	dma.local [hbm:s5], $0x2800  }
0xf: {  	_ =	swait.ge [sflag:s11], $0x2800  }
0x10: {  	[sflag:s11] =	ssyncset.done $0x0  }
0x11: {  	[sflag:s11] =	ssyncadd.s32 $0xFFFFD800  }
0x12: {  	[tilespmem:s12], [sflag:$0x1] =	stream.linear.gather [hbm4b:s2+s4], $0x4000, $0x38;
	[tilespmem:$0x19400] =	vst v63  }
0x13: {  	_ =	swait.ge [sflag:s11], $0x4000  }
0x14: {  	[sflag:s11] =	ssyncset.done $0x0  }
0x15: {  	[sflag:s11] =	ssyncadd.s32 $0xFFFFC000  }
0x16: {  	[tilespmem:s4], [sflag:$0x1] =	stream.linear.gather [hbm4b:s7+s4], $0x1400, $0x38;
	[tilespmem:$0x19400] =	vst v63  }
0x17: {  	_ =	swait.ge [sflag:s11], $0x1400  }
0x18: {  	[sflag:s11] =	ssyncset.done $0x0  }
0x19: {  	[sflag:s11] =	ssyncadd.s32 $0xFFFFEC00  }
0x1a: {  	s15 =	simm.s32 $0x0;
	[bflag:$0x0] =	sbarrier.arrive $0xFFFF  }
0x1b: {  	[spmem:s3] =	stream.indirect.scatter.add.f32 [tilespmem:s12], [sflag:$0x1], $0x80, s15, s13, $0xb8;
	[tilespmem:$0x19400] =	vst v63  }
0x1c: {  	_ =	swait.ge [sflag:s11], $0x4000  }
0x1d: {  	s15 =	simm.s32 $0x200;
	[sflag:s11] =	ssyncset.done $0x0  }
.LBB2_2:
0x1e: {  	s16 =	sshra.s32 s15, $0x2;
	[sflag:s11] =	ssyncadd.s32 $0xFFFFC000;
	p0 =	sne.s32 s15, $0x4E00  }
0x1f: {  	[spmem:s3] =	stream.indirect.scatter.add.f32 [tilespmem:s12], [sflag:$0x1], $0x80, s16, s13, $0xb8;
	[tilespmem:$0x19400] =	vst v63  }
.Ltmp0:
0x20: {  	_ = 	snop;
	(pc) =	sbr.rel @p0 .LBB2_2-.Ltmp0, $4  }
0x21: {  	_ = 	snop  }
0x22: {  	s15 =	sadd.s32 $0x200, s15  }
0x23: {  	_ =	swait.ge [sflag:s11], $0x4000  }
0x24: {  	[sflag:s11] =	ssyncset.done $0x0  }
0x25: {  	s14 =	sadd.s32 $0x1, s14  }
0x26: {  	[sflag:s11] =	ssyncadd.s32 $0xFFFFC000;
	p0 =	sne.s32 s14, s9  }
.Ltmp1:
0x27: {  	[bflag:$0x0] =	sbarrier.arrive $0xFFFF;
	(pc) =	sbr.rel @p0 .LBB2_1-.Ltmp1, $4  }
0x28: {  	[hbm:s8], [sflag:s6] =	dma.local [spmem:s10], $0x2800  }
0x29: {  	_ =	swait.ge [sflag:s11], $0x2800  }
0x2a: {  	[sflag:s11] =	ssyncset.done $0x0  }
0x2b: {  	[sflag:s11] =	ssyncadd.s32 $0xFFFFD800  }
0x2c: {  	_ =	sfence.sel $0x180000  }
0x2d: {  	[bflag:$0x0] =	sbarrier.arrive $0xFFFF  }
0x2e: {  	p0 =	sne.s32 s0, $0x0;
	_ =	strace $0x90000047  }
0x2f: {  	s0 =	sadd.s32 @!p0 $0x100000, s1;
	[bflag:$0x2] =	sbarrier.arrive $0xFFFF  }
0x30: {  	[sflag:s0] =	ssyncadd.tile.s32 @!p0 $0x1;
	_ =	shalt  }
.Lfunc_end2:
_tile_overlayer_lowered:
.L_overlay_start_2:
0x31: {  	(tag) =	ssettag $0x2  }
0x32: {  	s0 =	rddreg [dreg:$0x0];
	s2 =	stileid.u32  }
0x33: {  	s1 =	rddreg [dreg:$0x1];
	p0 =	sne.s32 s2, $0x0  }
0x34: {  	s3 =	rddreg [dreg:$0x2];
	[bflag:$0x3] =	sbarrier.arrive $0xFFFF;
	s2 =	simm.s32 @!p0 $0x1C01  }
0x35: {  	[timem:s3], [sflag:s2] =	dma.local @!p0 [hbm:s0], s1  }
0x36: {  	s0 =	simm.s32 @!p0 $0x1  }
0x37: {  	_ =	swait.ge @!p0 [sflag:s0], s1  }
0x38: {  	s1 =	ssub.s32 @!p0 $0x0, s1;
	[sflag:s0] =	ssyncset.done @!p0 $0x0  }
0x39: {  	[sflag:s0] =	ssyncadd.s32 @!p0 s1  }
0x3a: {  	[bflag:$0x3] =	sbarrier.arrive $0xFFFF  }
0x3b: {  	_ =	shalt  }

</sc_bundles>
